<compile_context>
chip_gen: v7x
topology: tpu7x:2x2x1
jax: 0.10.2.dev20260603
libtpu: 0.0.44.dev20260713+nightly
codegen_flags: <defaults>
</compile_context>

<pallas_src>
import functools

import jax
import jax.numpy as jnp
from jax import lax
from jax.experimental import pallas as pl
from jax.experimental.pallas import tpu as pltpu
from jax.experimental.pallas import tpu_sc as plsc

N = 10000
E = 320000
DIN = 128
H1 = 8
C1 = 16
D1 = H1 * C1
D2 = 64

NC = 2
NS = 16
NW = NC * NS
EPW = E // NW
K = 80
NCHUNK = EPW // K
NPAD = 10240
RPS = NPAD // NS
ZR = 8

_mesh = plsc.VectorSubcoreMesh(core_axis_name="c", subcore_axis_name="s")


def _make_edge_kernel(D, H):
    G = D // 16
    W = D + 16

    @functools.partial(
        pl.kernel,
        mesh=_mesh,
        compiler_params=pltpu.CompilerParams(use_tc_tiling_on_sc=False),
        out_type=jax.ShapeDtypeStruct((NC, NPAD, W), jnp.float32),
        scratch_types=[
            pltpu.VMEM((K,), jnp.int32),
            pltpu.VMEM((K,), jnp.int32),
            pltpu.VMEM((K, D), jnp.float32),
            pltpu.VMEM((K, D), jnp.float32),
            pltpu.VMEM((K, W), jnp.float32),
            pltpu.VMEM((D,), jnp.float32),
            pltpu.VMEM((ZR, W), jnp.float32),
            pltpu.VMEM_SHARED((NPAD, W), jnp.float32),
            pltpu.SemaphoreType.DMA,
            pltpu.SemaphoreType.DMA,
        ],
    )
    def edge_kernel(xl_hbm, xr_hbm, src_hbm, dst_hbm, att_hbm, out_hbm,
                    src_v, dst_v, bl, br, sbuf, att_v, zbuf,
                    acc_sh, sem1, sem2):
        c = lax.axis_index("c")
        s = lax.axis_index("s")
        zvec = jnp.zeros((16,), jnp.float32)

        def zrow(i, _):
            for g in range(W // 16):
                zbuf[i, pl.ds(g * 16, 16)] = zvec
            return 0

        lax.fori_loop(0, ZR, zrow, 0)

        def zcopy(r, _):
            pltpu.sync_copy(zbuf, acc_sh.at[pl.ds(s * RPS + r * ZR, ZR)])
            return 0

        lax.fori_loop(0, RPS // ZR, zcopy, 0)

        plsc.subcore_barrier()

        pltpu.sync_copy(att_hbm, att_v)
        A = [att_v[pl.ds(g * 16, 16)] * 0.6 for g in range(G)]
        B = [att_v[pl.ds(g * 16, 16)] * 0.4 for g in range(G)]

        ebase = (c * NS + s) * EPW
        lane = jnp.arange(16, dtype=jnp.int32)

        def _allsum(v):
            for k in (1, 2, 4, 8):
                v = v + jnp.take_along_axis(v, lane ^ k, axis=0)
            return v

        def chunk(j, _):
            base = ebase + j * K
            pltpu.sync_copy(src_hbm.at[pl.ds(base, K)], src_v)
            pltpu.sync_copy(dst_hbm.at[pl.ds(base, K)], dst_v)
            cp1 = pltpu.async_copy(xl_hbm.at[src_v], bl, sem1)
            cp2 = pltpu.async_copy(xr_hbm.at[dst_v], br, sem2)
            cp1.wait()
            cp2.wait()

            def edge_e(e, _):
                if H == 1:
                    acc = None
                    for g in range(G):
                        u = bl[e, pl.ds(g * 16, 16)] + br[e, pl.ds(g * 16, 16)]
                        t = u * A[g] + jnp.abs(u) * B[g]
                        acc = t if acc is None else acc + t
                    ex = jnp.exp(_allsum(acc))
                    for g in range(G):
                        sbuf[e, pl.ds(g * 16, 16)] = bl[e, pl.ds(g * 16, 16)] * ex
                    sbuf[e, pl.ds(D, 16)] = ex
                else:
                    excol = jnp.zeros((16,), jnp.float32)
                    for g in range(G):
                        u = bl[e, pl.ds(g * 16, 16)] + br[e, pl.ds(g * 16, 16)]
                        t = u * A[g] + jnp.abs(u) * B[g]
                        ex = jnp.exp(_allsum(t))
                        sbuf[e, pl.ds(g * 16, 16)] = bl[e, pl.ds(g * 16, 16)] * ex
                        excol = jnp.where(lane == g, ex, excol)
                    sbuf[e, pl.ds(D, 16)] = excol
                return 0


            pltpu.sync_copy(sbuf, acc_sh.at[dst_v], add=True)
            return 0

        lax.fori_loop(0, NCHUNK, chunk, 0)

        plsc.subcore_barrier()
        pltpu.sync_copy(acc_sh.at[pl.ds(s * RPS, RPS)],
                        out_hbm.at[c, pl.ds(s * RPS, RPS)])

    return edge_kernel


_edge1 = _make_edge_kernel(D1, H1)
_edge2 = _make_edge_kernel(D2, 1)



_MBLK = 1000
_GRID = N // _MBLK


def _mm1_body(x_ref, wl_ref, wr_ref, xl_ref, xr_ref):
    xb = x_ref[...]
    xl_ref[...] = jnp.dot(xb, wl_ref[...], preferred_element_type=jnp.float32)
    xr_ref[...] = jnp.dot(xb, wr_ref[...], preferred_element_type=jnp.float32)


def _mm1(x, W1l, W1r):
    return pl.pallas_call(
        _mm1_body,
        grid=(_GRID,),
        in_specs=[
            pl.BlockSpec((_MBLK, DIN), lambda i: (i, 0)),
            pl.BlockSpec((DIN, D1), lambda i: (0, 0)),
            pl.BlockSpec((DIN, D1), lambda i: (0, 0)),
        ],
        out_specs=(
            pl.BlockSpec((_MBLK, D1), lambda i: (i, 0)),
            pl.BlockSpec((_MBLK, D1), lambda i: (i, 0)),
        ),
        out_shape=(
            jax.ShapeDtypeStruct((N, D1), jnp.float32),
            jax.ShapeDtypeStruct((N, D1), jnp.float32),
        ),
    )(x, W1l, W1r)


def _mid_body(a0_ref, a1_ref, b1_ref, rep_ref, w2l_ref, w2r_ref,
              xl2_ref, xr2_ref):
    tot = a0_ref[...] + a1_ref[...]
    num = tot[:, :D1]
    den = tot[:, D1:D1 + H1]
    den_rep = jnp.dot(den, rep_ref[...], preferred_element_type=jnp.float32)
    h = num / (den_rep + 1e-16) + b1_ref[...]
    h = jnp.where(h > 0, h, jnp.exp(h) - 1.0)
    xl2_ref[...] = jnp.dot(h, w2l_ref[...], preferred_element_type=jnp.float32)
    xr2_ref[...] = jnp.dot(h, w2r_ref[...], preferred_element_type=jnp.float32)


def _mid(a0, a1, b1, rep, W2l, W2r):
    W = D1 + 16
    return pl.pallas_call(
        _mid_body,
        grid=(_GRID,),
        in_specs=[
            pl.BlockSpec((_MBLK, W), lambda i: (i, 0)),
            pl.BlockSpec((_MBLK, W), lambda i: (i, 0)),
            pl.BlockSpec((1, D1), lambda i: (0, 0)),
            pl.BlockSpec((H1, D1), lambda i: (0, 0)),
            pl.BlockSpec((D1, D2), lambda i: (0, 0)),
            pl.BlockSpec((D1, D2), lambda i: (0, 0)),
        ],
        out_specs=(
            pl.BlockSpec((_MBLK, D2), lambda i: (i, 0)),
            pl.BlockSpec((_MBLK, D2), lambda i: (i, 0)),
        ),
        out_shape=(
            jax.ShapeDtypeStruct((N, D2), jnp.float32),
            jax.ShapeDtypeStruct((N, D2), jnp.float32),
        ),
    )(a0, a1, b1, rep, W2l, W2r)


def _final_body(a0_ref, a1_ref, b2_ref, out_ref, ls_ref):
    tot = a0_ref[...] + a1_ref[...]
    num = tot[:, :D2]
    den = tot[:, D2:D2 + 1]
    h = num / (den + 1e-16) + b2_ref[...]
    out_ref[...] = h
    m = jnp.max(h, axis=1, keepdims=True)
    sh = h - m
    ls_ref[...] = sh - jnp.log(jnp.sum(jnp.exp(sh), axis=1, keepdims=True))


def _final(a0, a1, b2):
    W = D2 + 16
    return pl.pallas_call(
        _final_body,
        grid=(_GRID,),
        in_specs=[
            pl.BlockSpec((_MBLK, W), lambda i: (i, 0)),
            pl.BlockSpec((_MBLK, W), lambda i: (i, 0)),
            pl.BlockSpec((1, D2), lambda i: (0, 0)),
        ],
        out_specs=(
            pl.BlockSpec((_MBLK, D2), lambda i: (i, 0)),
            pl.BlockSpec((_MBLK, D2), lambda i: (i, 0)),
        ),
        out_shape=(
            jax.ShapeDtypeStruct((N, D2), jnp.float32),
            jax.ShapeDtypeStruct((N, D2), jnp.float32),
        ),
    )(a0, a1, b2)


def kernel(x, edge_index, W1l, W1r, att1, b1, W2l, W2r, att2, b2):
    src = edge_index[0]
    dst = edge_index[1]
    rep = jnp.repeat(jnp.eye(H1, dtype=jnp.float32), C1, axis=1)

    xl1, xr1 = _mm1(x, W1l, W1r)
    acc1 = _edge1(xl1, xr1, src, dst, att1.reshape(-1))
    xl2, xr2 = _mid(acc1[0], acc1[1], b1.reshape(1, D1), rep, W2l, W2r)
    acc2 = _edge2(xl2, xr2, src, dst, att2.reshape(-1))
    out, ls = _final(acc2[0], acc2[1], b2.reshape(1, D2))
    return (out, ls)

# --- scband reference (transcript-rebuilt; emitter-appended) ---
"""Pipeline reference for scband-gat-29618094473652 (READ-ONLY COPY).

The authoritative reference and input builder live on the scoring server;
editing this copy changes nothing except your own understanding.
"""

import jax, jax.numpy as jnp
import numpy as np

N_NODES = 10000
N_EDGES = 320000
DIM_IN = 128
DIM_H = 16
HEADS = 8
DIM_OUT = 64


def setup_inputs(seed: int = 0) -> dict:
    key = jax.random.key(seed)
    ks = jax.random.split(key, 12)
    x = jax.random.normal(ks[0], (N_NODES, DIM_IN), dtype=jnp.float32)
    edge_index = jax.random.randint(ks[1], (2, N_EDGES), 0, N_NODES, dtype=jnp.int32)
    s1 = 1.0 / np.sqrt(DIM_IN)
    s2 = 1.0 / np.sqrt(HEADS * DIM_H)
    W1l = (s1 * jax.random.normal(ks[2], (DIM_IN, HEADS * DIM_H))).astype(jnp.float32)
    W1r = (s1 * jax.random.normal(ks[3], (DIM_IN, HEADS * DIM_H))).astype(jnp.float32)
    att1 = ((1.0 / np.sqrt(DIM_H)) * jax.random.normal(ks[4], (HEADS, DIM_H))).astype(jnp.float32)
    b1 = jnp.zeros((HEADS * DIM_H,), dtype=jnp.float32)
    W2l = (s2 * jax.random.normal(ks[5], (HEADS * DIM_H, DIM_OUT))).astype(jnp.float32)
    W2r = (s2 * jax.random.normal(ks[6], (HEADS * DIM_H, DIM_OUT))).astype(jnp.float32)
    att2 = ((1.0 / np.sqrt(DIM_OUT)) * jax.random.normal(ks[7], (1, DIM_OUT))).astype(jnp.float32)
    b2 = jnp.zeros((DIM_OUT,), dtype=jnp.float32)
    return {"x": x, "edge_index": edge_index, "W1l": W1l, "W1r": W1r, "att1": att1, "b1": b1,
            "W2l": W2l, "W2r": W2r, "att2": att2, "b2": b2}


def _gatv2(x, src, dst, Wl, Wr, att, heads, ch):
    # GATv2Conv (PyG semantics): e_ij = att . LeakyReLU(Wl x_j + Wr x_i), softmax over incoming edges of i,
    # out_i = sum_j alpha_ij * (Wl x_j)
    N = x.shape[0]
    xl = (x @ Wl).reshape(N, heads, ch)
    xr = (x @ Wr).reshape(N, heads, ch)
    m = xl[src] + xr[dst]                      # [E, H, C]
    m = jnp.where(m > 0, m, 0.2 * m)           # LeakyReLU(0.2)
    alpha = jnp.sum(m * att[None, :, :], axis=-1)  # [E, H]
    amax = jax.ops.segment_max(alpha, dst, num_segments=N)
    amax = jnp.where(jnp.isfinite(amax), amax, 0.0)
    amax = jax.lax.stop_gradient(amax)
    ex = jnp.exp(alpha - amax[dst])
    denom = jax.ops.segment_sum(ex, dst, num_segments=N)
    a = ex / (denom[dst] + 1e-16)
    out = jax.ops.segment_sum(xl[src] * a[:, :, None], dst, num_segments=N)  # [N, H, C]
    return out


def reference(x, edge_index, W1l, W1r, att1, b1, W2l, W2r, att2, b2):
    # eval mode: dropout(p=0.6) is identity
    src = edge_index[0]
    dst = edge_index[1]
    h = _gatv2(x, src, dst, W1l, W1r, att1, HEADS, DIM_H).reshape(-1, HEADS * DIM_H) + b1
    h = jax.nn.elu(h)
    h = _gatv2(h, src, dst, W2l, W2r, att2, 1, DIM_OUT).reshape(-1, DIM_OUT) + b2
    return (h, jax.nn.log_softmax(h, axis=1))

if __name__ == "__main__":
    import jax
    _d = setup_inputs()
    print(jax.jit(kernel)(*tuple(_d.values())))

</pallas_src>

<mosaic_0001>
#map = affine_map<(d0, d1) -> (0, 0)>
#map1 = affine_map<(d0, d1) -> (0)>
#map2 = affine_map<(d0, d1) -> (0, 0, 0)>
module attributes {stable_mosaic.version = 14 : i64} {
  func.func @edge_kernel(%arg0: i32, %arg1: i32, %arg2: memref<10000x128xf32, #tpu.memory_space<hbm>>, %arg3: memref<10000x128xf32, #tpu.memory_space<hbm>>, %arg4: memref<320000xi32, #tpu.memory_space<hbm>>, %arg5: memref<320000xi32, #tpu.memory_space<hbm>>, %arg6: memref<128xf32, #tpu.memory_space<hbm>>, %arg7: memref<2x10240x144xf32, #tpu.memory_space<hbm>>, %arg8: memref<80xi32, #tpu.memory_space<vmem>>, %arg9: memref<80xi32, #tpu.memory_space<vmem>>, %arg10: memref<80x128xf32, #tpu.memory_space<vmem>>, %arg11: memref<80x128xf32, #tpu.memory_space<vmem>>, %arg12: memref<80x144xf32, #tpu.memory_space<vmem>>, %arg13: memref<128xf32, #tpu.memory_space<vmem>>, %arg14: memref<8x144xf32, #tpu.memory_space<vmem>>, %arg15: memref<10240x144xf32, #tpu.memory_space<vmem_shared>>, %arg16: memref<!tpu.dma_semaphore, #tpu.memory_space<semaphore_mem>>, %arg17: memref<!tpu.dma_semaphore, #tpu.memory_space<semaphore_mem>>) attributes {dimension_semantics = [#tpu.dimension_semantics<core_parallel>, #tpu.dimension_semantics<subcore_parallel>], iteration_bounds = array<i64: 2, 16>, scalar_prefetch = 0 : i64, scratch_operands = 10 : i64, tpu.core_type = #tpu.core_type<sc_vector_subcore>, window_params = [{transform_indices = #map}, {transform_indices = #map}, {transform_indices = #map1}, {transform_indices = #map1}, {transform_indices = #map1}, {transform_indices = #map2}]} {
    %broadcast_in_dim3A = arith.constant 0.000000e+00 : f32
    %broadcast_in_dim3A_0 = vector.broadcast %broadcast_in_dim3A : f32 to vector<16xf32>
    %scan3A = arith.constant 0 : i32
    %scan3A_1 = arith.constant 0 : i32
    %scan3A_2 = arith.constant 8 : i32
    %scan3A_3 = arith.addi %scan3A_1, %scan3A_2 : i32
    %scan3A_4 = arith.constant 1 : i32
    %scan3A_5 = scf.for %scan3A_124 = %scan3A_1 to %scan3A_3 step %scan3A_4 iter_args(%scan3A_125 = %scan3A) -> (i32)  : i32 {
      %swap3A = arith.index_cast %scan3A_124 : i32 to index
      %swap3A_126 = arith.constant 0 : index
      %swap3A_127 = tpu.vector_load %arg14[%swap3A, %swap3A_126] {strides = array<i32>} : memref<8x144xf32, #tpu.memory_space<vmem>>, vector<1x16xf32>,
      %swap3A_128 = vector.shape_cast %swap3A_127 : vector<1x16xf32> to vector<16xf32>
      %swap3A_129 = vector.shape_cast %broadcast_in_dim3A_0 : vector<16xf32> to vector<1x16xf32>
      tpu.vector_store %arg14[%swap3A, %swap3A_126], %swap3A_129 {strides = array<i32>} : memref<8x144xf32, #tpu.memory_space<vmem>>, vector<1x16xf32>,
      %swap3A_130 = arith.index_cast %scan3A_124 : i32 to index
      %swap3A_131 = arith.constant 16 : index
      %swap3A_132 = tpu.vector_load %arg14[%swap3A_130, %swap3A_131] {strides = array<i32>} : memref<8x144xf32, #tpu.memory_space<vmem>>, vector<1x16xf32>,
      %swap3A_133 = vector.shape_cast %swap3A_132 : vector<1x16xf32> to vector<16xf32>
      %swap3A_134 = vector.shape_cast %broadcast_in_dim3A_0 : vector<16xf32> to vector<1x16xf32>
      tpu.vector_store %arg14[%swap3A_130, %swap3A_131], %swap3A_134 {strides = array<i32>} : memref<8x144xf32, #tpu.memory_space<vmem>>, vector<1x16xf32>,
      %swap3A_135 = arith.index_cast %scan3A_124 : i32 to index
      %swap3A_136 = arith.constant 32 : index
      %swap3A_137 = tpu.vector_load %arg14[%swap3A_135, %swap3A_136] {strides = array<i32>} : memref<8x144xf32, #tpu.memory_space<vmem>>, vector<1x16xf32>,
      %swap3A_138 = vector.shape_cast %swap3A_137 : vector<1x16xf32> to vector<16xf32>
      %swap3A_139 = vector.shape_cast %broadcast_in_dim3A_0 : vector<16xf32> to vector<1x16xf32>
      tpu.vector_store %arg14[%swap3A_135, %swap3A_136], %swap3A_139 {strides = array<i32>} : memref<8x144xf32, #tpu.memory_space<vmem>>, vector<1x16xf32>,
      %swap3A_140 = arith.index_cast %scan3A_124 : i32 to index
      %swap3A_141 = arith.constant 48 : index
      %swap3A_142 = tpu.vector_load %arg14[%swap3A_140, %swap3A_141] {strides = array<i32>} : memref<8x144xf32, #tpu.memory_space<vmem>>, vector<1x16xf32>,
      %swap3A_143 = vector.shape_cast %swap3A_142 : vector<1x16xf32> to vector<16xf32>
      %swap3A_144 = vector.shape_cast %broadcast_in_dim3A_0 : vector<16xf32> to vector<1x16xf32>
      tpu.vector_store %arg14[%swap3A_140, %swap3A_141], %swap3A_144 {strides = array<i32>} : memref<8x144xf32, #tpu.memory_space<vmem>>, vector<1x16xf32>,
      %swap3A_145 = arith.index_cast %scan3A_124 : i32 to index
      %swap3A_146 = arith.constant 64 : index
      %swap3A_147 = tpu.vector_load %arg14[%swap3A_145, %swap3A_146] {strides = array<i32>} : memref<8x144xf32, #tpu.memory_space<vmem>>, vector<1x16xf32>,
      %swap3A_148 = vector.shape_cast %swap3A_147 : vector<1x16xf32> to vector<16xf32>
      %swap3A_149 = vector.shape_cast %broadcast_in_dim3A_0 : vector<16xf32> to vector<1x16xf32>
      tpu.vector_store %arg14[%swap3A_145, %swap3A_146], %swap3A_149 {strides = array<i32>} : memref<8x144xf32, #tpu.memory_space<vmem>>, vector<1x16xf32>,
      %swap3A_150 = arith.index_cast %scan3A_124 : i32 to index
      %swap3A_151 = arith.constant 80 : index
      %swap3A_152 = tpu.vector_load %arg14[%swap3A_150, %swap3A_151] {strides = array<i32>} : memref<8x144xf32, #tpu.memory_space<vmem>>, vector<1x16xf32>,
      %swap3A_153 = vector.shape_cast %swap3A_152 : vector<1x16xf32> to vector<16xf32>
      %swap3A_154 = vector.shape_cast %broadcast_in_dim3A_0 : vector<16xf32> to vector<1x16xf32>
      tpu.vector_store %arg14[%swap3A_150, %swap3A_151], %swap3A_154 {strides = array<i32>} : memref<8x144xf32, #tpu.memory_space<vmem>>, vector<1x16xf32>,
      %swap3A_155 = arith.index_cast %scan3A_124 : i32 to index
      %swap3A_156 = arith.constant 96 : index
      %swap3A_157 = tpu.vector_load %arg14[%swap3A_155, %swap3A_156] {strides = array<i32>} : memref<8x144xf32, #tpu.memory_space<vmem>>, vector<1x16xf32>,
      %swap3A_158 = vector.shape_cast %swap3A_157 : vector<1x16xf32> to vector<16xf32>
      %swap3A_159 = vector.shape_cast %broadcast_in_dim3A_0 : vector<16xf32> to vector<1x16xf32>
      tpu.vector_store %arg14[%swap3A_155, %swap3A_156], %swap3A_159 {strides = array<i32>} : memref<8x144xf32, #tpu.memory_space<vmem>>, vector<1x16xf32>,
      %swap3A_160 = arith.index_cast %scan3A_124 : i32 to index
      %swap3A_161 = arith.constant 112 : index
      %swap3A_162 = tpu.vector_load %arg14[%swap3A_160, %swap3A_161] {strides = array<i32>} : memref<8x144xf32, #tpu.memory_space<vmem>>, vector<1x16xf32>,
      %swap3A_163 = vector.shape_cast %swap3A_162 : vector<1x16xf32> to vector<16xf32>
      %swap3A_164 = vector.shape_cast %broadcast_in_dim3A_0 : vector<16xf32> to vector<1x16xf32>
      tpu.vector_store %arg14[%swap3A_160, %swap3A_161], %swap3A_164 {strides = array<i32>} : memref<8x144xf32, #tpu.memory_space<vmem>>, vector<1x16xf32>,
      %swap3A_165 = arith.index_cast %scan3A_124 : i32 to index
      %swap3A_166 = arith.constant 128 : index
      %swap3A_167 = tpu.vector_load %arg14[%swap3A_165, %swap3A_166] {strides = array<i32>} : memref<8x144xf32, #tpu.memory_space<vmem>>, vector<1x16xf32>,
      %swap3A_168 = vector.shape_cast %swap3A_167 : vector<1x16xf32> to vector<16xf32>
      %swap3A_169 = vector.shape_cast %broadcast_in_dim3A_0 : vector<16xf32> to vector<1x16xf32>
      tpu.vector_store %arg14[%swap3A_165, %swap3A_166], %swap3A_169 {strides = array<i32>} : memref<8x144xf32, #tpu.memory_space<vmem>>, vector<1x16xf32>,
      %scan3A_170 = arith.constant 0 : i32
      scf.yield %scan3A_170 : i32
    }
    %scan3A_6 = arith.constant 8 : i32
    %scan3A_7 = arith.constant 0 : i32
    %scan3A_8 = arith.constant 0 : i32
    %scan3A_9 = arith.constant 80 : i32
    %scan3A_10 = arith.addi %scan3A_8, %scan3A_9 : i32
    %scan3A_11 = arith.constant 1 : i32
    %scan3A_12 = scf.for %scan3A_124 = %scan3A_8 to %scan3A_10 step %scan3A_11 iter_args(%scan3A_125 = %scan3A_7) -> (i32)  : i32 {
      %mul3A_126 = arith.constant 640 : i32
      %mul3A_127 = arith.muli %arg1, %mul3A_126 : i32
      %mul3A_128 = arith.constant 8 : i32
      %mul3A_129 = arith.muli %scan3A_124, %mul3A_128 : i32
      %add3A_130 = arith.addi %mul3A_127, %mul3A_129 : i32
      "tpu.region"() ({
        %run_scoped3A = tpu.sem_alloc : memref<!tpu.dma_semaphore, #tpu.memory_space<semaphore_mem>>
        %dma_start3A = arith.constant 0 : i32
        %dma_start3A_132 = tpu.memref_slice %arg15[%add3A_130, %dma_start3A] : memref<10240x144xf32, #tpu.memory_space<vmem_shared>> -> memref<8x144xf32, #tpu.memory_space<vmem_shared>>
        %dma_start3A_133 = arith.constant 0 : i32
        %dma_start3A_134 = tpu.memref_slice %arg15[%add3A_130, %dma_start3A_133] : memref<10240x144xf32, #tpu.memory_space<vmem_shared>> -> memref<8x144xf32, #tpu.memory_space<vmem_shared>>
        tpu.enqueue_dma source(%arg14 : memref<8x144xf32, #tpu.memory_space<vmem>>) target(%dma_start3A_134 : memref<8x144xf32, #tpu.memory_space<vmem_shared>>) target_semaphore(%run_scoped3A : memref<!tpu.dma_semaphore, #tpu.memory_space<semaphore_mem>>)
        %dma_wait3A = arith.constant 0 : i32
        %dma_wait3A_135 = tpu.memref_slice %arg15[%add3A_130, %dma_wait3A] : memref<10240x144xf32, #tpu.memory_space<vmem_shared>> -> memref<8x144xf32, #tpu.memory_space<vmem_shared>>
        %dma_wait3A_136 = arith.constant 0 : i32
        %dma_wait3A_137 = tpu.memref_slice %arg15[%add3A_130, %dma_wait3A_136] : memref<10240x144xf32, #tpu.memory_space<vmem_shared>> -> memref<8x144xf32, #tpu.memory_space<vmem_shared>>
        tpu.wait_dma2 semaphore(%run_scoped3A : memref<!tpu.dma_semaphore, #tpu.memory_space<semaphore_mem>>) src(%arg14 : memref<8x144xf32, #tpu.memory_space<vmem>>) dst(%dma_wait3A_137 : memref<8x144xf32, #tpu.memory_space<vmem_shared>>)
        tpu.yield
      }) : () -> ()
      %scan3A_131 = arith.constant 0 : i32
      scf.yield %scan3A_131 : i32
    }
    %scan3A_13 = arith.constant 80 : i32
    %barrier3A = arith.constant 0 : index
    tpu.barrier barrier_id(%barrier3A)
    "tpu.region"() ({
      %run_scoped3A = tpu.sem_alloc : memref<!tpu.dma_semaphore, #tpu.memory_space<semaphore_mem>>
      tpu.enqueue_dma source(%arg6 : memref<128xf32, #tpu.memory_space<hbm>>) target(%arg13 : memref<128xf32, #tpu.memory_space<vmem>>) target_semaphore(%run_scoped3A : memref<!tpu.dma_semaphore, #tpu.memory_space<semaphore_mem>>)
      tpu.wait_dma2 semaphore(%run_scoped3A : memref<!tpu.dma_semaphore, #tpu.memory_space<semaphore_mem>>) src(%arg6 : memref<128xf32, #tpu.memory_space<hbm>>) dst(%arg13 : memref<128xf32, #tpu.memory_space<vmem>>)
      tpu.yield
    }) : () -> ()
    %get3A = arith.constant 0 : index
    %get3A_14 = tpu.vector_load %arg13[%get3A] {strides = array<i32>} : memref<128xf32, #tpu.memory_space<vmem>>, vector<16xf32>,
    %get3A_15 = vector.shape_cast %get3A_14 : vector<16xf32> to vector<16xf32>
    %mul3A = arith.constant 6.000000e-01 : f32
    %mul3A_16 = vector.broadcast %mul3A : f32 to vector<16xf32>
    %mul3A_17 = arith.mulf %get3A_15, %mul3A_16 : vector<16xf32>
    %get3A_18 = arith.constant 16 : index
    %get3A_19 = tpu.vector_load %arg13[%get3A_18] {strides = array<i32>} : memref<128xf32, #tpu.memory_space<vmem>>, vector<16xf32>,
    %get3A_20 = vector.shape_cast %get3A_19 : vector<16xf32> to vector<16xf32>
    %mul3A_21 = arith.constant 6.000000e-01 : f32
    %mul3A_22 = vector.broadcast %mul3A_21 : f32 to vector<16xf32>
    %mul3A_23 = arith.mulf %get3A_20, %mul3A_22 : vector<16xf32>
    %get3A_24 = arith.constant 32 : index
    %get3A_25 = tpu.vector_load %arg13[%get3A_24] {strides = array<i32>} : memref<128xf32, #tpu.memory_space<vmem>>, vector<16xf32>,
    %get3A_26 = vector.shape_cast %get3A_25 : vector<16xf32> to vector<16xf32>
    %mul3A_27 = arith.constant 6.000000e-01 : f32
    %mul3A_28 = vector.broadcast %mul3A_27 : f32 to vector<16xf32>
    %mul3A_29 = arith.mulf %get3A_26, %mul3A_28 : vector<16xf32>
    %get3A_30 = arith.constant 48 : index
    %get3A_31 = tpu.vector_load %arg13[%get3A_30] {strides = array<i32>} : memref<128xf32, #tpu.memory_space<vmem>>, vector<16xf32>,
    %get3A_32 = vector.shape_cast %get3A_31 : vector<16xf32> to vector<16xf32>
    %mul3A_33 = arith.constant 6.000000e-01 : f32
    %mul3A_34 = vector.broadcast %mul3A_33 : f32 to vector<16xf32>
    %mul3A_35 = arith.mulf %get3A_32, %mul3A_34 : vector<16xf32>
    %get3A_36 = arith.constant 64 : index
    %get3A_37 = tpu.vector_load %arg13[%get3A_36] {strides = array<i32>} : memref<128xf32, #tpu.memory_space<vmem>>, vector<16xf32>,
    %get3A_38 = vector.shape_cast %get3A_37 : vector<16xf32> to vector<16xf32>
    %mul3A_39 = arith.constant 6.000000e-01 : f32
    %mul3A_40 = vector.broadcast %mul3A_39 : f32 to vector<16xf32>
    %mul3A_41 = arith.mulf %get3A_38, %mul3A_40 : vector<16xf32>
    %get3A_42 = arith.constant 80 : index
    %get3A_43 = tpu.vector_load %arg13[%get3A_42] {strides = array<i32>} : memref<128xf32, #tpu.memory_space<vmem>>, vector<16xf32>,
    %get3A_44 = vector.shape_cast %get3A_43 : vector<16xf32> to vector<16xf32>
    %mul3A_45 = arith.constant 6.000000e-01 : f32
    %mul3A_46 = vector.broadcast %mul3A_45 : f32 to vector<16xf32>
    %mul3A_47 = arith.mulf %get3A_44, %mul3A_46 : vector<16xf32>
    %get3A_48 = arith.constant 96 : index
    %get3A_49 = tpu.vector_load %arg13[%get3A_48] {strides = array<i32>} : memref<128xf32, #tpu.memory_space<vmem>>, vector<16xf32>,
    %get3A_50 = vector.shape_cast %get3A_49 : vector<16xf32> to vector<16xf32>
    %mul3A_51 = arith.constant 6.000000e-01 : f32
    %mul3A_52 = vector.broadcast %mul3A_51 : f32 to vector<16xf32>
    %mul3A_53 = arith.mulf %get3A_50, %mul3A_52 : vector<16xf32>
    %get3A_54 = arith.constant 112 : index
    %get3A_55 = tpu.vector_load %arg13[%get3A_54] {strides = array<i32>} : memref<128xf32, #tpu.memory_space<vmem>>, vector<16xf32>,
    %get3A_56 = vector.shape_cast %get3A_55 : vector<16xf32> to vector<16xf32>
    %mul3A_57 = arith.constant 6.000000e-01 : f32
    %mul3A_58 = vector.broadcast %mul3A_57 : f32 to vector<16xf32>
    %mul3A_59 = arith.mulf %get3A_56, %mul3A_58 : vector<16xf32>
    %get3A_60 = arith.constant 0 : index
    %get3A_61 = tpu.vector_load %arg13[%get3A_60] {strides = array<i32>} : memref<128xf32, #tpu.memory_space<vmem>>, vector<16xf32>,
    %get3A_62 = vector.shape_cast %get3A_61 : vector<16xf32> to vector<16xf32>
    %mul3A_63 = arith.constant 4.000000e-01 : f32
    %mul3A_64 = vector.broadcast %mul3A_63 : f32 to vector<16xf32>
    %mul3A_65 = arith.mulf %get3A_62, %mul3A_64 : vector<16xf32>
    %get3A_66 = arith.constant 16 : index
    %get3A_67 = tpu.vector_load %arg13[%get3A_66] {strides = array<i32>} : memref<128xf32, #tpu.memory_space<vmem>>, vector<16xf32>,
    %get3A_68 = vector.shape_cast %get3A_67 : vector<16xf32> to vector<16xf32>
    %mul3A_69 = arith.constant 4.000000e-01 : f32
    %mul3A_70 = vector.broadcast %mul3A_69 : f32 to vector<16xf32>
    %mul3A_71 = arith.mulf %get3A_68, %mul3A_70 : vector<16xf32>
    %get3A_72 = arith.constant 32 : index
    %get3A_73 = tpu.vector_load %arg13[%get3A_72] {strides = array<i32>} : memref<128xf32, #tpu.memory_space<vmem>>, vector<16xf32>,
    %get3A_74 = vector.shape_cast %get3A_73 : vector<16xf32> to vector<16xf32>
    %mul3A_75 = arith.constant 4.000000e-01 : f32
    %mul3A_76 = vector.broadcast %mul3A_75 : f32 to vector<16xf32>
    %mul3A_77 = arith.mulf %get3A_74, %mul3A_76 : vector<16xf32>
    %get3A_78 = arith.constant 48 : index
    %get3A_79 = tpu.vector_load %arg13[%get3A_78] {strides = array<i32>} : memref<128xf32, #tpu.memory_space<vmem>>, vector<16xf32>,
    %get3A_80 = vector.shape_cast %get3A_79 : vector<16xf32> to vector<16xf32>
    %mul3A_81 = arith.constant 4.000000e-01 : f32
    %mul3A_82 = vector.broadcast %mul3A_81 : f32 to vector<16xf32>
    %mul3A_83 = arith.mulf %get3A_80, %mul3A_82 : vector<16xf32>
    %get3A_84 = arith.constant 64 : index
    %get3A_85 = tpu.vector_load %arg13[%get3A_84] {strides = array<i32>} : memref<128xf32, #tpu.memory_space<vmem>>, vector<16xf32>,
    %get3A_86 = vector.shape_cast %get3A_85 : vector<16xf32> to vector<16xf32>
    %mul3A_87 = arith.constant 4.000000e-01 : f32
    %mul3A_88 = vector.broadcast %mul3A_87 : f32 to vector<16xf32>
    %mul3A_89 = arith.mulf %get3A_86, %mul3A_88 : vector<16xf32>
    %get3A_90 = arith.constant 80 : index
    %get3A_91 = tpu.vector_load %arg13[%get3A_90] {strides = array<i32>} : memref<128xf32, #tpu.memory_space<vmem>>, vector<16xf32>,
    %get3A_92 = vector.shape_cast %get3A_91 : vector<16xf32> to vector<16xf32>
    %mul3A_93 = arith.constant 4.000000e-01 : f32
    %mul3A_94 = vector.broadcast %mul3A_93 : f32 to vector<16xf32>
    %mul3A_95 = arith.mulf %get3A_92, %mul3A_94 : vector<16xf32>
    %get3A_96 = arith.constant 96 : index
    %get3A_97 = tpu.vector_load %arg13[%get3A_96] {strides = array<i32>} : memref<128xf32, #tpu.memory_space<vmem>>, vector<16xf32>,
    %get3A_98 = vector.shape_cast %get3A_97 : vector<16xf32> to vector<16xf32>
    %mul3A_99 = arith.constant 4.000000e-01 : f32
    %mul3A_100 = vector.broadcast %mul3A_99 : f32 to vector<16xf32>
    %mul3A_101 = arith.mulf %get3A_98, %mul3A_100 : vector<16xf32>
    %get3A_102 = arith.constant 112 : index
    %get3A_103 = tpu.vector_load %arg13[%get3A_102] {strides = array<i32>} : memref<128xf32, #tpu.memory_space<vmem>>, vector<16xf32>,
    %get3A_104 = vector.shape_cast %get3A_103 : vector<16xf32> to vector<16xf32>
    %mul3A_105 = arith.constant 4.000000e-01 : f32
    %mul3A_106 = vector.broadcast %mul3A_105 : f32 to vector<16xf32>
    %mul3A_107 = arith.mulf %get3A_104, %mul3A_106 : vector<16xf32>
    %mul3A_108 = arith.constant 16 : i32
    %mul3A_109 = arith.muli %arg0, %mul3A_108 : i32
    %add3A = arith.addi %mul3A_109, %arg1 : i32
    %mul3A_110 = arith.constant 10000 : i32
    %mul3A_111 = arith.muli %add3A, %mul3A_110 : i32
    %iota3A = tpu.iota {dimensions = array<i32: 0>} : vector<16xi32>
    %scan3A_112 = arith.constant 0 : i32
    %scan3A_113 = arith.constant 0 : i32
    %scan3A_114 = arith.constant 125 : i32
    %scan3A_115 = arith.addi %scan3A_113, %scan3A_114 : i32
    %scan3A_116 = arith.constant 1 : i32
    %scan3A_117 = scf.for %scan3A_124 = %scan3A_113 to %scan3A_115 step %scan3A_116 iter_args(%scan3A_125 = %scan3A_112) -> (i32)  : i32 {
      %mul3A_126 = arith.constant 80 : i32
      %mul3A_127 = arith.muli %scan3A_124, %mul3A_126 : i32
      %add3A_128 = arith.addi %mul3A_111, %mul3A_127 : i32
      "tpu.region"() ({
        %run_scoped3A = tpu.sem_alloc : memref<!tpu.dma_semaphore, #tpu.memory_space<semaphore_mem>>
        %dma_start3A_140 = tpu.memref_slice %arg4[%add3A_128] : memref<320000xi32, #tpu.memory_space<hbm>> -> memref<80xi32, #tpu.memory_space<hbm>>
        %dma_start3A_141 = tpu.memref_slice %arg4[%add3A_128] : memref<320000xi32, #tpu.memory_space<hbm>> -> memref<80xi32, #tpu.memory_space<hbm>>
        tpu.enqueue_dma source(%dma_start3A_141 : memref<80xi32, #tpu.memory_space<hbm>>) target(%arg8 : memref<80xi32, #tpu.memory_space<vmem>>) target_semaphore(%run_scoped3A : memref<!tpu.dma_semaphore, #tpu.memory_space<semaphore_mem>>)
        %dma_wait3A_142 = tpu.memref_slice %arg4[%add3A_128] : memref<320000xi32, #tpu.memory_space<hbm>> -> memref<80xi32, #tpu.memory_space<hbm>>
        %dma_wait3A_143 = tpu.memref_slice %arg4[%add3A_128] : memref<320000xi32, #tpu.memory_space<hbm>> -> memref<80xi32, #tpu.memory_space<hbm>>
        tpu.wait_dma2 semaphore(%run_scoped3A : memref<!tpu.dma_semaphore, #tpu.memory_space<semaphore_mem>>) src(%dma_wait3A_143 : memref<80xi32, #tpu.memory_space<hbm>>) dst(%arg8 : memref<80xi32, #tpu.memory_space<vmem>>)
        tpu.yield
      }) : () -> ()
      "tpu.region"() ({
        %run_scoped3A = tpu.sem_alloc : memref<!tpu.dma_semaphore, #tpu.memory_space<semaphore_mem>>
        %dma_start3A_140 = tpu.memref_slice %arg5[%add3A_128] : memref<320000xi32, #tpu.memory_space<hbm>> -> memref<80xi32, #tpu.memory_space<hbm>>
        %dma_start3A_141 = tpu.memref_slice %arg5[%add3A_128] : memref<320000xi32, #tpu.memory_space<hbm>> -> memref<80xi32, #tpu.memory_space<hbm>>
        tpu.enqueue_dma source(%dma_start3A_141 : memref<80xi32, #tpu.memory_space<hbm>>) target(%arg9 : memref<80xi32, #tpu.memory_space<vmem>>) target_semaphore(%run_scoped3A : memref<!tpu.dma_semaphore, #tpu.memory_space<semaphore_mem>>)
        %dma_wait3A_142 = tpu.memref_slice %arg5[%add3A_128] : memref<320000xi32, #tpu.memory_space<hbm>> -> memref<80xi32, #tpu.memory_space<hbm>>
        %dma_wait3A_143 = tpu.memref_slice %arg5[%add3A_128] : memref<320000xi32, #tpu.memory_space<hbm>> -> memref<80xi32, #tpu.memory_space<hbm>>
        tpu.wait_dma2 semaphore(%run_scoped3A : memref<!tpu.dma_semaphore, #tpu.memory_space<semaphore_mem>>) src(%dma_wait3A_143 : memref<80xi32, #tpu.memory_space<hbm>>) dst(%arg9 : memref<80xi32, #tpu.memory_space<vmem>>)
        tpu.yield
      }) : () -> ()
      %dma_start3A = arith.constant 0 : i32
      %dma_start3A_129 = arith.constant 0 : i32
      %dma_start3A_130 = tpu.memref_slice %arg2[%dma_start3A, %dma_start3A_129] : memref<10000x128xf32, #tpu.memory_space<hbm>> -> memref<10000x128xf32, #tpu.memory_space<hbm>>
      tpu.enqueue_indirect_dma source(%dma_start3A_130 : memref<10000x128xf32, #tpu.memory_space<hbm>>) target(%arg10 : memref<80x128xf32, #tpu.memory_space<vmem>>) offsets(%arg8 : memref<80xi32, #tpu.memory_space<vmem>>) semaphore(%arg16 : memref<!tpu.dma_semaphore, #tpu.memory_space<semaphore_mem>>)
      %dma_start3A_131 = arith.constant 0 : i32
      %dma_start3A_132 = arith.constant 0 : i32
      %dma_start3A_133 = tpu.memref_slice %arg3[%dma_start3A_131, %dma_start3A_132] : memref<10000x128xf32, #tpu.memory_space<hbm>> -> memref<10000x128xf32, #tpu.memory_space<hbm>>
      tpu.enqueue_indirect_dma source(%dma_start3A_133 : memref<10000x128xf32, #tpu.memory_space<hbm>>) target(%arg11 : memref<80x128xf32, #tpu.memory_space<vmem>>) offsets(%arg9 : memref<80xi32, #tpu.memory_space<vmem>>) semaphore(%arg17 : memref<!tpu.dma_semaphore, #tpu.memory_space<semaphore_mem>>)
      %dma_wait3A = arith.constant 0 : i32
      %dma_wait3A_134 = arith.constant 0 : i32
      %dma_wait3A_135 = tpu.memref_slice %arg2[%dma_wait3A, %dma_wait3A_134] : memref<10000x128xf32, #tpu.memory_space<hbm>> -> memref<10000x128xf32, #tpu.memory_space<hbm>>
      tpu.wait_indirect_dma semaphore(%arg16 : memref<!tpu.dma_semaphore, #tpu.memory_space<semaphore_mem>>) src(%dma_wait3A_135 : memref<10000x128xf32, #tpu.memory_space<hbm>>) dst(%arg10 : memref<80x128xf32, #tpu.memory_space<vmem>>)
      %dma_wait3A_136 = arith.constant 0 : i32
      %dma_wait3A_137 = arith.constant 0 : i32
      %dma_wait3A_138 = tpu.memref_slice %arg3[%dma_wait3A_136, %dma_wait3A_137] : memref<10000x128xf32, #tpu.memory_space<hbm>> -> memref<10000x128xf32, #tpu.memory_space<hbm>>
      tpu.wait_indirect_dma semaphore(%arg17 : memref<!tpu.dma_semaphore, #tpu.memory_space<semaphore_mem>>) src(%dma_wait3A_138 : memref<10000x128xf32, #tpu.memory_space<hbm>>) dst(%arg11 : memref<80x128xf32, #tpu.memory_space<vmem>>)
      "tpu.region"() ({
        %run_scoped3A = tpu.sem_alloc : memref<!tpu.dma_semaphore, #tpu.memory_space<semaphore_mem>>
        %dma_start3A_140 = arith.constant 0 : i32
        %dma_start3A_141 = arith.constant 0 : i32
        %dma_start3A_142 = tpu.memref_slice %arg15[%dma_start3A_140, %dma_start3A_141] : memref<10240x144xf32, #tpu.memory_space<vmem_shared>> -> memref<10240x144xf32, #tpu.memory_space<vmem_shared>>
        tpu.enqueue_indirect_dma source(%arg12 : memref<80x144xf32, #tpu.memory_space<vmem>>) target(%dma_start3A_142 : memref<10240x144xf32, #tpu.memory_space<vmem_shared>>) offsets(%arg9 : memref<80xi32, #tpu.memory_space<vmem>>) semaphore(%run_scoped3A : memref<!tpu.dma_semaphore, #tpu.memory_space<semaphore_mem>>) {add = true}
        %dma_wait3A_143 = arith.constant 0 : i32
        %dma_wait3A_144 = arith.constant 0 : i32
        %dma_wait3A_145 = tpu.memref_slice %arg15[%dma_wait3A_143, %dma_wait3A_144] : memref<10240x144xf32, #tpu.memory_space<vmem_shared>> -> memref<10240x144xf32, #tpu.memory_space<vmem_shared>>
        tpu.wait_indirect_dma semaphore(%run_scoped3A : memref<!tpu.dma_semaphore, #tpu.memory_space<semaphore_mem>>) src(%arg12 : memref<80x144xf32, #tpu.memory_space<vmem>>) dst(%dma_wait3A_145 : memref<10240x144xf32, #tpu.memory_space<vmem_shared>>)
        tpu.yield
      }) : () -> ()
      %scan3A_139 = arith.constant 0 : i32
      scf.yield %scan3A_139 : i32
    }
    %scan3A_118 = arith.constant 125 : i32
    %barrier3A_119 = arith.constant 0 : index
    tpu.barrier barrier_id(%barrier3A_119)
    %mul3A_120 = arith.constant 640 : i32
    %mul3A_121 = arith.muli %arg1, %mul3A_120 : i32
    %mul3A_122 = arith.constant 640 : i32
    %mul3A_123 = arith.muli %arg1, %mul3A_122 : i32
    "tpu.region"() ({
      %run_scoped3A = tpu.sem_alloc : memref<!tpu.dma_semaphore, #tpu.memory_space<semaphore_mem>>
      %dma_start3A = arith.constant 0 : i32
      %dma_start3A_124 = tpu.memref_slice %arg7[%arg0, %mul3A_123, %dma_start3A] : memref<2x10240x144xf32, #tpu.memory_space<hbm>> -> memref<1x640x144xf32, #tpu.memory_space<hbm>>
      %dma_start3A_125 = tpu.memref_squeeze %dma_start3A_124 : memref<1x640x144xf32, #tpu.memory_space<hbm>> -> memref<640x144xf32, #tpu.memory_space<hbm>>
      %dma_start3A_126 = arith.constant 0 : i32
      %dma_start3A_127 = tpu.memref_slice %arg15[%mul3A_121, %dma_start3A_126] : memref<10240x144xf32, #tpu.memory_space<vmem_shared>> -> memref<640x144xf32, #tpu.memory_space<vmem_shared>>
      tpu.enqueue_dma source(%dma_start3A_127 : memref<640x144xf32, #tpu.memory_space<vmem_shared>>) target(%dma_start3A_125 : memref<640x144xf32, #tpu.memory_space<hbm>>) target_semaphore(%run_scoped3A : memref<!tpu.dma_semaphore, #tpu.memory_space<semaphore_mem>>)
      %dma_wait3A = arith.constant 0 : i32
      %dma_wait3A_128 = tpu.memref_slice %arg7[%arg0, %mul3A_123, %dma_wait3A] : memref<2x10240x144xf32, #tpu.memory_space<hbm>> -> memref<1x640x144xf32, #tpu.memory_space<hbm>>
      %dma_wait3A_129 = tpu.memref_squeeze %dma_wait3A_128 : memref<1x640x144xf32, #tpu.memory_space<hbm>> -> memref<640x144xf32, #tpu.memory_space<hbm>>
      %dma_wait3A_130 = arith.constant 0 : i32
      %dma_wait3A_131 = tpu.memref_slice %arg15[%mul3A_121, %dma_wait3A_130] : memref<10240x144xf32, #tpu.memory_space<vmem_shared>> -> memref<640x144xf32, #tpu.memory_space<vmem_shared>>
      tpu.wait_dma2 semaphore(%run_scoped3A : memref<!tpu.dma_semaphore, #tpu.memory_space<semaphore_mem>>) src(%dma_wait3A_131 : memref<640x144xf32, #tpu.memory_space<vmem_shared>>) dst(%dma_wait3A_129 : memref<640x144xf32, #tpu.memory_space<hbm>>)
      tpu.yield
    }) : () -> ()
    return
  }
}

#map = affine_map<(d0, d1) -> (0, 0)>
#map1 = affine_map<(d0, d1) -> (0)>
#map2 = affine_map<(d0, d1) -> (0, 0, 0)>
module attributes {stable_mosaic.version = 14 : i64} {
  func.func @edge_kernel(%arg0: i32, %arg1: i32, %arg2: memref<10000x64xf32, #tpu.memory_space<hbm>>, %arg3: memref<10000x64xf32, #tpu.memory_space<hbm>>, %arg4: memref<320000xi32, #tpu.memory_space<hbm>>, %arg5: memref<320000xi32, #tpu.memory_space<hbm>>, %arg6: memref<64xf32, #tpu.memory_space<hbm>>, %arg7: memref<2x10240x80xf32, #tpu.memory_space<hbm>>, %arg8: memref<80xi32, #tpu.memory_space<vmem>>, %arg9: memref<80xi32, #tpu.memory_space<vmem>>, %arg10: memref<80x64xf32, #tpu.memory_space<vmem>>, %arg11: memref<80x64xf32, #tpu.memory_space<vmem>>, %arg12: memref<80x80xf32, #tpu.memory_space<vmem>>, %arg13: memref<64xf32, #tpu.memory_space<vmem>>, %arg14: memref<8x80xf32, #tpu.memory_space<vmem>>, %arg15: memref<10240x80xf32, #tpu.memory_space<vmem_shared>>, %arg16: memref<!tpu.dma_semaphore, #tpu.memory_space<semaphore_mem>>, %arg17: memref<!tpu.dma_semaphore, #tpu.memory_space<semaphore_mem>>) attributes {dimension_semantics = [#tpu.dimension_semantics<core_parallel>, #tpu.dimension_semantics<subcore_parallel>], iteration_bounds = array<i64: 2, 16>, scalar_prefetch = 0 : i64, scratch_operands = 10 : i64, tpu.core_type = #tpu.core_type<sc_vector_subcore>, window_params = [{transform_indices = #map}, {transform_indices = #map}, {transform_indices = #map1}, {transform_indices = #map1}, {transform_indices = #map1}, {transform_indices = #map2}]} {
    %broadcast_in_dim3A = arith.constant 0.000000e+00 : f32
    %broadcast_in_dim3A_0 = vector.broadcast %broadcast_in_dim3A : f32 to vector<16xf32>
    %scan3A = arith.constant 0 : i32
    %scan3A_1 = arith.constant 0 : i32
    %scan3A_2 = arith.constant 8 : i32
    %scan3A_3 = arith.addi %scan3A_1, %scan3A_2 : i32
    %scan3A_4 = arith.constant 1 : i32
    %scan3A_5 = scf.for %scan3A_76 = %scan3A_1 to %scan3A_3 step %scan3A_4 iter_args(%scan3A_77 = %scan3A) -> (i32)  : i32 {
      %swap3A = arith.index_cast %scan3A_76 : i32 to index
      %swap3A_78 = arith.constant 0 : index
      %swap3A_79 = tpu.vector_load %arg14[%swap3A, %swap3A_78] {strides = array<i32>} : memref<8x80xf32, #tpu.memory_space<vmem>>, vector<1x16xf32>,
      %swap3A_80 = vector.shape_cast %swap3A_79 : vector<1x16xf32> to vector<16xf32>
      %swap3A_81 = vector.shape_cast %broadcast_in_dim3A_0 : vector<16xf32> to vector<1x16xf32>
      tpu.vector_store %arg14[%swap3A, %swap3A_78], %swap3A_81 {strides = array<i32>} : memref<8x80xf32, #tpu.memory_space<vmem>>, vector<1x16xf32>,
      %swap3A_82 = arith.index_cast %scan3A_76 : i32 to index
      %swap3A_83 = arith.constant 16 : index
      %swap3A_84 = tpu.vector_load %arg14[%swap3A_82, %swap3A_83] {strides = array<i32>} : memref<8x80xf32, #tpu.memory_space<vmem>>, vector<1x16xf32>,
      %swap3A_85 = vector.shape_cast %swap3A_84 : vector<1x16xf32> to vector<16xf32>
      %swap3A_86 = vector.shape_cast %broadcast_in_dim3A_0 : vector<16xf32> to vector<1x16xf32>
      tpu.vector_store %arg14[%swap3A_82, %swap3A_83], %swap3A_86 {strides = array<i32>} : memref<8x80xf32, #tpu.memory_space<vmem>>, vector<1x16xf32>,
      %swap3A_87 = arith.index_cast %scan3A_76 : i32 to index
      %swap3A_88 = arith.constant 32 : index
      %swap3A_89 = tpu.vector_load %arg14[%swap3A_87, %swap3A_88] {strides = array<i32>} : memref<8x80xf32, #tpu.memory_space<vmem>>, vector<1x16xf32>,
      %swap3A_90 = vector.shape_cast %swap3A_89 : vector<1x16xf32> to vector<16xf32>
      %swap3A_91 = vector.shape_cast %broadcast_in_dim3A_0 : vector<16xf32> to vector<1x16xf32>
      tpu.vector_store %arg14[%swap3A_87, %swap3A_88], %swap3A_91 {strides = array<i32>} : memref<8x80xf32, #tpu.memory_space<vmem>>, vector<1x16xf32>,
      %swap3A_92 = arith.index_cast %scan3A_76 : i32 to index
      %swap3A_93 = arith.constant 48 : index
      %swap3A_94 = tpu.vector_load %arg14[%swap3A_92, %swap3A_93] {strides = array<i32>} : memref<8x80xf32, #tpu.memory_space<vmem>>, vector<1x16xf32>,
      %swap3A_95 = vector.shape_cast %swap3A_94 : vector<1x16xf32> to vector<16xf32>
      %swap3A_96 = vector.shape_cast %broadcast_in_dim3A_0 : vector<16xf32> to vector<1x16xf32>
      tpu.vector_store %arg14[%swap3A_92, %swap3A_93], %swap3A_96 {strides = array<i32>} : memref<8x80xf32, #tpu.memory_space<vmem>>, vector<1x16xf32>,
      %swap3A_97 = arith.index_cast %scan3A_76 : i32 to index
      %swap3A_98 = arith.constant 64 : index
      %swap3A_99 = tpu.vector_load %arg14[%swap3A_97, %swap3A_98] {strides = array<i32>} : memref<8x80xf32, #tpu.memory_space<vmem>>, vector<1x16xf32>,
      %swap3A_100 = vector.shape_cast %swap3A_99 : vector<1x16xf32> to vector<16xf32>
      %swap3A_101 = vector.shape_cast %broadcast_in_dim3A_0 : vector<16xf32> to vector<1x16xf32>
      tpu.vector_store %arg14[%swap3A_97, %swap3A_98], %swap3A_101 {strides = array<i32>} : memref<8x80xf32, #tpu.memory_space<vmem>>, vector<1x16xf32>,
      %scan3A_102 = arith.constant 0 : i32
      scf.yield %scan3A_102 : i32
    }
    %scan3A_6 = arith.constant 8 : i32
    %scan3A_7 = arith.constant 0 : i32
    %scan3A_8 = arith.constant 0 : i32
    %scan3A_9 = arith.constant 80 : i32
    %scan3A_10 = arith.addi %scan3A_8, %scan3A_9 : i32
    %scan3A_11 = arith.constant 1 : i32
    %scan3A_12 = scf.for %scan3A_76 = %scan3A_8 to %scan3A_10 step %scan3A_11 iter_args(%scan3A_77 = %scan3A_7) -> (i32)  : i32 {
      %mul3A_78 = arith.constant 640 : i32
      %mul3A_79 = arith.muli %arg1, %mul3A_78 : i32
      %mul3A_80 = arith.constant 8 : i32
      %mul3A_81 = arith.muli %scan3A_76, %mul3A_80 : i32
      %add3A_82 = arith.addi %mul3A_79, %mul3A_81 : i32
      "tpu.region"() ({
        %run_scoped3A = tpu.sem_alloc : memref<!tpu.dma_semaphore, #tpu.memory_space<semaphore_mem>>
        %dma_start3A = arith.constant 0 : i32
        %dma_start3A_84 = tpu.memref_slice %arg15[%add3A_82, %dma_start3A] : memref<10240x80xf32, #tpu.memory_space<vmem_shared>> -> memref<8x80xf32, #tpu.memory_space<vmem_shared>>
        %dma_start3A_85 = arith.constant 0 : i32
        %dma_start3A_86 = tpu.memref_slice %arg15[%add3A_82, %dma_start3A_85] : memref<10240x80xf32, #tpu.memory_space<vmem_shared>> -> memref<8x80xf32, #tpu.memory_space<vmem_shared>>
        tpu.enqueue_dma source(%arg14 : memref<8x80xf32, #tpu.memory_space<vmem>>) target(%dma_start3A_86 : memref<8x80xf32, #tpu.memory_space<vmem_shared>>) target_semaphore(%run_scoped3A : memref<!tpu.dma_semaphore, #tpu.memory_space<semaphore_mem>>)
        %dma_wait3A = arith.constant 0 : i32
        %dma_wait3A_87 = tpu.memref_slice %arg15[%add3A_82, %dma_wait3A] : memref<10240x80xf32, #tpu.memory_space<vmem_shared>> -> memref<8x80xf32, #tpu.memory_space<vmem_shared>>
        %dma_wait3A_88 = arith.constant 0 : i32
        %dma_wait3A_89 = tpu.memref_slice %arg15[%add3A_82, %dma_wait3A_88] : memref<10240x80xf32, #tpu.memory_space<vmem_shared>> -> memref<8x80xf32, #tpu.memory_space<vmem_shared>>
        tpu.wait_dma2 semaphore(%run_scoped3A : memref<!tpu.dma_semaphore, #tpu.memory_space<semaphore_mem>>) src(%arg14 : memref<8x80xf32, #tpu.memory_space<vmem>>) dst(%dma_wait3A_89 : memref<8x80xf32, #tpu.memory_space<vmem_shared>>)
        tpu.yield
      }) : () -> ()
      %scan3A_83 = arith.constant 0 : i32
      scf.yield %scan3A_83 : i32
    }
    %scan3A_13 = arith.constant 80 : i32
    %barrier3A = arith.constant 0 : index
    tpu.barrier barrier_id(%barrier3A)
    "tpu.region"() ({
      %run_scoped3A = tpu.sem_alloc : memref<!tpu.dma_semaphore, #tpu.memory_space<semaphore_mem>>
      tpu.enqueue_dma source(%arg6 : memref<64xf32, #tpu.memory_space<hbm>>) target(%arg13 : memref<64xf32, #tpu.memory_space<vmem>>) target_semaphore(%run_scoped3A : memref<!tpu.dma_semaphore, #tpu.memory_space<semaphore_mem>>)
      tpu.wait_dma2 semaphore(%run_scoped3A : memref<!tpu.dma_semaphore, #tpu.memory_space<semaphore_mem>>) src(%arg6 : memref<64xf32, #tpu.memory_space<hbm>>) dst(%arg13 : memref<64xf32, #tpu.memory_space<vmem>>)
      tpu.yield
    }) : () -> ()
    %get3A = arith.constant 0 : index
    %get3A_14 = tpu.vector_load %arg13[%get3A] {strides = array<i32>} : memref<64xf32, #tpu.memory_space<vmem>>, vector<16xf32>,
    %get3A_15 = vector.shape_cast %get3A_14 : vector<16xf32> to vector<16xf32>
    %mul3A = arith.constant 6.000000e-01 : f32
    %mul3A_16 = vector.broadcast %mul3A : f32 to vector<16xf32>
    %mul3A_17 = arith.mulf %get3A_15, %mul3A_16 : vector<16xf32>
    %get3A_18 = arith.constant 16 : index
    %get3A_19 = tpu.vector_load %arg13[%get3A_18] {strides = array<i32>} : memref<64xf32, #tpu.memory_space<vmem>>, vector<16xf32>,
    %get3A_20 = vector.shape_cast %get3A_19 : vector<16xf32> to vector<16xf32>
    %mul3A_21 = arith.constant 6.000000e-01 : f32
    %mul3A_22 = vector.broadcast %mul3A_21 : f32 to vector<16xf32>
    %mul3A_23 = arith.mulf %get3A_20, %mul3A_22 : vector<16xf32>
    %get3A_24 = arith.constant 32 : index
    %get3A_25 = tpu.vector_load %arg13[%get3A_24] {strides = array<i32>} : memref<64xf32, #tpu.memory_space<vmem>>, vector<16xf32>,
    %get3A_26 = vector.shape_cast %get3A_25 : vector<16xf32> to vector<16xf32>
    %mul3A_27 = arith.constant 6.000000e-01 : f32
    %mul3A_28 = vector.broadcast %mul3A_27 : f32 to vector<16xf32>
    %mul3A_29 = arith.mulf %get3A_26, %mul3A_28 : vector<16xf32>
    %get3A_30 = arith.constant 48 : index
    %get3A_31 = tpu.vector_load %arg13[%get3A_30] {strides = array<i32>} : memref<64xf32, #tpu.memory_space<vmem>>, vector<16xf32>,
    %get3A_32 = vector.shape_cast %get3A_31 : vector<16xf32> to vector<16xf32>
    %mul3A_33 = arith.constant 6.000000e-01 : f32
    %mul3A_34 = vector.broadcast %mul3A_33 : f32 to vector<16xf32>
    %mul3A_35 = arith.mulf %get3A_32, %mul3A_34 : vector<16xf32>
    %get3A_36 = arith.constant 0 : index
    %get3A_37 = tpu.vector_load %arg13[%get3A_36] {strides = array<i32>} : memref<64xf32, #tpu.memory_space<vmem>>, vector<16xf32>,
    %get3A_38 = vector.shape_cast %get3A_37 : vector<16xf32> to vector<16xf32>
    %mul3A_39 = arith.constant 4.000000e-01 : f32
    %mul3A_40 = vector.broadcast %mul3A_39 : f32 to vector<16xf32>
    %mul3A_41 = arith.mulf %get3A_38, %mul3A_40 : vector<16xf32>
    %get3A_42 = arith.constant 16 : index
    %get3A_43 = tpu.vector_load %arg13[%get3A_42] {strides = array<i32>} : memref<64xf32, #tpu.memory_space<vmem>>, vector<16xf32>,
    %get3A_44 = vector.shape_cast %get3A_43 : vector<16xf32> to vector<16xf32>
    %mul3A_45 = arith.constant 4.000000e-01 : f32
    %mul3A_46 = vector.broadcast %mul3A_45 : f32 to vector<16xf32>
    %mul3A_47 = arith.mulf %get3A_44, %mul3A_46 : vector<16xf32>
    %get3A_48 = arith.constant 32 : index
    %get3A_49 = tpu.vector_load %arg13[%get3A_48] {strides = array<i32>} : memref<64xf32, #tpu.memory_space<vmem>>, vector<16xf32>,
    %get3A_50 = vector.shape_cast %get3A_49 : vector<16xf32> to vector<16xf32>
    %mul3A_51 = arith.constant 4.000000e-01 : f32
    %mul3A_52 = vector.broadcast %mul3A_51 : f32 to vector<16xf32>
    %mul3A_53 = arith.mulf %get3A_50, %mul3A_52 : vector<16xf32>
    %get3A_54 = arith.constant 48 : index
    %get3A_55 = tpu.vector_load %arg13[%get3A_54] {strides = array<i32>} : memref<64xf32, #tpu.memory_space<vmem>>, vector<16xf32>,
    %get3A_56 = vector.shape_cast %get3A_55 : vector<16xf32> to vector<16xf32>
    %mul3A_57 = arith.constant 4.000000e-01 : f32
    %mul3A_58 = vector.broadcast %mul3A_57 : f32 to vector<16xf32>
    %mul3A_59 = arith.mulf %get3A_56, %mul3A_58 : vector<16xf32>
    %mul3A_60 = arith.constant 16 : i32
    %mul3A_61 = arith.muli %arg0, %mul3A_60 : i32
    %add3A = arith.addi %mul3A_61, %arg1 : i32
    %mul3A_62 = arith.constant 10000 : i32
    %mul3A_63 = arith.muli %add3A, %mul3A_62 : i32
    %iota3A = tpu.iota {dimensions = array<i32: 0>} : vector<16xi32>
    %scan3A_64 = arith.constant 0 : i32
    %scan3A_65 = arith.constant 0 : i32
    %scan3A_66 = arith.constant 125 : i32
    %scan3A_67 = arith.addi %scan3A_65, %scan3A_66 : i32
    %scan3A_68 = arith.constant 1 : i32
    %scan3A_69 = scf.for %scan3A_76 = %scan3A_65 to %scan3A_67 step %scan3A_68 iter_args(%scan3A_77 = %scan3A_64) -> (i32)  : i32 {
      %mul3A_78 = arith.constant 80 : i32
      %mul3A_79 = arith.muli %scan3A_76, %mul3A_78 : i32
      %add3A_80 = arith.addi %mul3A_63, %mul3A_79 : i32
      "tpu.region"() ({
        %run_scoped3A = tpu.sem_alloc : memref<!tpu.dma_semaphore, #tpu.memory_space<semaphore_mem>>
        %dma_start3A_92 = tpu.memref_slice %arg4[%add3A_80] : memref<320000xi32, #tpu.memory_space<hbm>> -> memref<80xi32, #tpu.memory_space<hbm>>
        %dma_start3A_93 = tpu.memref_slice %arg4[%add3A_80] : memref<320000xi32, #tpu.memory_space<hbm>> -> memref<80xi32, #tpu.memory_space<hbm>>
        tpu.enqueue_dma source(%dma_start3A_93 : memref<80xi32, #tpu.memory_space<hbm>>) target(%arg8 : memref<80xi32, #tpu.memory_space<vmem>>) target_semaphore(%run_scoped3A : memref<!tpu.dma_semaphore, #tpu.memory_space<semaphore_mem>>)
        %dma_wait3A_94 = tpu.memref_slice %arg4[%add3A_80] : memref<320000xi32, #tpu.memory_space<hbm>> -> memref<80xi32, #tpu.memory_space<hbm>>
        %dma_wait3A_95 = tpu.memref_slice %arg4[%add3A_80] : memref<320000xi32, #tpu.memory_space<hbm>> -> memref<80xi32, #tpu.memory_space<hbm>>
        tpu.wait_dma2 semaphore(%run_scoped3A : memref<!tpu.dma_semaphore, #tpu.memory_space<semaphore_mem>>) src(%dma_wait3A_95 : memref<80xi32, #tpu.memory_space<hbm>>) dst(%arg8 : memref<80xi32, #tpu.memory_space<vmem>>)
        tpu.yield
      }) : () -> ()
      "tpu.region"() ({
        %run_scoped3A = tpu.sem_alloc : memref<!tpu.dma_semaphore, #tpu.memory_space<semaphore_mem>>
        %dma_start3A_92 = tpu.memref_slice %arg5[%add3A_80] : memref<320000xi32, #tpu.memory_space<hbm>> -> memref<80xi32, #tpu.memory_space<hbm>>
        %dma_start3A_93 = tpu.memref_slice %arg5[%add3A_80] : memref<320000xi32, #tpu.memory_space<hbm>> -> memref<80xi32, #tpu.memory_space<hbm>>
        tpu.enqueue_dma source(%dma_start3A_93 : memref<80xi32, #tpu.memory_space<hbm>>) target(%arg9 : memref<80xi32, #tpu.memory_space<vmem>>) target_semaphore(%run_scoped3A : memref<!tpu.dma_semaphore, #tpu.memory_space<semaphore_mem>>)
        %dma_wait3A_94 = tpu.memref_slice %arg5[%add3A_80] : memref<320000xi32, #tpu.memory_space<hbm>> -> memref<80xi32, #tpu.memory_space<hbm>>
        %dma_wait3A_95 = tpu.memref_slice %arg5[%add3A_80] : memref<320000xi32, #tpu.memory_space<hbm>> -> memref<80xi32, #tpu.memory_space<hbm>>
        tpu.wait_dma2 semaphore(%run_scoped3A : memref<!tpu.dma_semaphore, #tpu.memory_space<semaphore_mem>>) src(%dma_wait3A_95 : memref<80xi32, #tpu.memory_space<hbm>>) dst(%arg9 : memref<80xi32, #tpu.memory_space<vmem>>)
        tpu.yield
      }) : () -> ()
      %dma_start3A = arith.constant 0 : i32
      %dma_start3A_81 = arith.constant 0 : i32
      %dma_start3A_82 = tpu.memref_slice %arg2[%dma_start3A, %dma_start3A_81] : memref<10000x64xf32, #tpu.memory_space<hbm>> -> memref<10000x64xf32, #tpu.memory_space<hbm>>
      tpu.enqueue_indirect_dma source(%dma_start3A_82 : memref<10000x64xf32, #tpu.memory_space<hbm>>) target(%arg10 : memref<80x64xf32, #tpu.memory_space<vmem>>) offsets(%arg8 : memref<80xi32, #tpu.memory_space<vmem>>) semaphore(%arg16 : memref<!tpu.dma_semaphore, #tpu.memory_space<semaphore_mem>>)
      %dma_start3A_83 = arith.constant 0 : i32
      %dma_start3A_84 = arith.constant 0 : i32
      %dma_start3A_85 = tpu.memref_slice %arg3[%dma_start3A_83, %dma_start3A_84] : memref<10000x64xf32, #tpu.memory_space<hbm>> -> memref<10000x64xf32, #tpu.memory_space<hbm>>
      tpu.enqueue_indirect_dma source(%dma_start3A_85 : memref<10000x64xf32, #tpu.memory_space<hbm>>) target(%arg11 : memref<80x64xf32, #tpu.memory_space<vmem>>) offsets(%arg9 : memref<80xi32, #tpu.memory_space<vmem>>) semaphore(%arg17 : memref<!tpu.dma_semaphore, #tpu.memory_space<semaphore_mem>>)
      %dma_wait3A = arith.constant 0 : i32
      %dma_wait3A_86 = arith.constant 0 : i32
      %dma_wait3A_87 = tpu.memref_slice %arg2[%dma_wait3A, %dma_wait3A_86] : memref<10000x64xf32, #tpu.memory_space<hbm>> -> memref<10000x64xf32, #tpu.memory_space<hbm>>
      tpu.wait_indirect_dma semaphore(%arg16 : memref<!tpu.dma_semaphore, #tpu.memory_space<semaphore_mem>>) src(%dma_wait3A_87 : memref<10000x64xf32, #tpu.memory_space<hbm>>) dst(%arg10 : memref<80x64xf32, #tpu.memory_space<vmem>>)
      %dma_wait3A_88 = arith.constant 0 : i32
      %dma_wait3A_89 = arith.constant 0 : i32
      %dma_wait3A_90 = tpu.memref_slice %arg3[%dma_wait3A_88, %dma_wait3A_89] : memref<10000x64xf32, #tpu.memory_space<hbm>> -> memref<10000x64xf32, #tpu.memory_space<hbm>>
      tpu.wait_indirect_dma semaphore(%arg17 : memref<!tpu.dma_semaphore, #tpu.memory_space<semaphore_mem>>) src(%dma_wait3A_90 : memref<10000x64xf32, #tpu.memory_space<hbm>>) dst(%arg11 : memref<80x64xf32, #tpu.memory_space<vmem>>)
      "tpu.region"() ({
        %run_scoped3A = tpu.sem_alloc : memref<!tpu.dma_semaphore, #tpu.memory_space<semaphore_mem>>
        %dma_start3A_92 = arith.constant 0 : i32
        %dma_start3A_93 = arith.constant 0 : i32
        %dma_start3A_94 = tpu.memref_slice %arg15[%dma_start3A_92, %dma_start3A_93] : memref<10240x80xf32, #tpu.memory_space<vmem_shared>> -> memref<10240x80xf32, #tpu.memory_space<vmem_shared>>
        tpu.enqueue_indirect_dma source(%arg12 : memref<80x80xf32, #tpu.memory_space<vmem>>) target(%dma_start3A_94 : memref<10240x80xf32, #tpu.memory_space<vmem_shared>>) offsets(%arg9 : memref<80xi32, #tpu.memory_space<vmem>>) semaphore(%run_scoped3A : memref<!tpu.dma_semaphore, #tpu.memory_space<semaphore_mem>>) {add = true}
        %dma_wait3A_95 = arith.constant 0 : i32
        %dma_wait3A_96 = arith.constant 0 : i32
        %dma_wait3A_97 = tpu.memref_slice %arg15[%dma_wait3A_95, %dma_wait3A_96] : memref<10240x80xf32, #tpu.memory_space<vmem_shared>> -> memref<10240x80xf32, #tpu.memory_space<vmem_shared>>
        tpu.wait_indirect_dma semaphore(%run_scoped3A : memref<!tpu.dma_semaphore, #tpu.memory_space<semaphore_mem>>) src(%arg12 : memref<80x80xf32, #tpu.memory_space<vmem>>) dst(%dma_wait3A_97 : memref<10240x80xf32, #tpu.memory_space<vmem_shared>>)
        tpu.yield
      }) : () -> ()
      %scan3A_91 = arith.constant 0 : i32
      scf.yield %scan3A_91 : i32
    }
    %scan3A_70 = arith.constant 125 : i32
    %barrier3A_71 = arith.constant 0 : index
    tpu.barrier barrier_id(%barrier3A_71)
    %mul3A_72 = arith.constant 640 : i32
    %mul3A_73 = arith.muli %arg1, %mul3A_72 : i32
    %mul3A_74 = arith.constant 640 : i32
    %mul3A_75 = arith.muli %arg1, %mul3A_74 : i32
    "tpu.region"() ({
      %run_scoped3A = tpu.sem_alloc : memref<!tpu.dma_semaphore, #tpu.memory_space<semaphore_mem>>
      %dma_start3A = arith.constant 0 : i32
      %dma_start3A_76 = tpu.memref_slice %arg7[%arg0, %mul3A_75, %dma_start3A] : memref<2x10240x80xf32, #tpu.memory_space<hbm>> -> memref<1x640x80xf32, #tpu.memory_space<hbm>>
      %dma_start3A_77 = tpu.memref_squeeze %dma_start3A_76 : memref<1x640x80xf32, #tpu.memory_space<hbm>> -> memref<640x80xf32, #tpu.memory_space<hbm>>
      %dma_start3A_78 = arith.constant 0 : i32
      %dma_start3A_79 = tpu.memref_slice %arg15[%mul3A_73, %dma_start3A_78] : memref<10240x80xf32, #tpu.memory_space<vmem_shared>> -> memref<640x80xf32, #tpu.memory_space<vmem_shared>>
      tpu.enqueue_dma source(%dma_start3A_79 : memref<640x80xf32, #tpu.memory_space<vmem_shared>>) target(%dma_start3A_77 : memref<640x80xf32, #tpu.memory_space<hbm>>) target_semaphore(%run_scoped3A : memref<!tpu.dma_semaphore, #tpu.memory_space<semaphore_mem>>)
      %dma_wait3A = arith.constant 0 : i32
      %dma_wait3A_80 = tpu.memref_slice %arg7[%arg0, %mul3A_75, %dma_wait3A] : memref<2x10240x80xf32, #tpu.memory_space<hbm>> -> memref<1x640x80xf32, #tpu.memory_space<hbm>>
      %dma_wait3A_81 = tpu.memref_squeeze %dma_wait3A_80 : memref<1x640x80xf32, #tpu.memory_space<hbm>> -> memref<640x80xf32, #tpu.memory_space<hbm>>
      %dma_wait3A_82 = arith.constant 0 : i32
      %dma_wait3A_83 = tpu.memref_slice %arg15[%mul3A_73, %dma_wait3A_82] : memref<10240x80xf32, #tpu.memory_space<vmem_shared>> -> memref<640x80xf32, #tpu.memory_space<vmem_shared>>
      tpu.wait_dma2 semaphore(%run_scoped3A : memref<!tpu.dma_semaphore, #tpu.memory_space<semaphore_mem>>) src(%dma_wait3A_83 : memref<640x80xf32, #tpu.memory_space<vmem_shared>>) dst(%dma_wait3A_81 : memref<640x80xf32, #tpu.memory_space<hbm>>)
      tpu.yield
    }) : () -> ()
    return
  }
}

module attributes {stable_mosaic.version = 14 : i64} {
  func.func @_mm1_body(%arg0: i32, %arg1: memref<1000x128xf32, #tpu.memory_space<vmem>>, %arg2: memref<128x128xf32, #tpu.memory_space<vmem>>, %arg3: memref<128x128xf32, #tpu.memory_space<vmem>>, %arg4: memref<1000x128xf32, #tpu.memory_space<vmem>>, %arg5: memref<1000x128xf32, #tpu.memory_space<vmem>>) attributes {dimension_semantics = [#tpu.dimension_semantics<arbitrary>], iteration_bounds = array<i64: 10>, scalar_prefetch = 0 : i64, scratch_operands = 0 : i64, tpu.core_type = #tpu.core_type<tc>, window_params = [{transform_indices = @transform_0, window_bounds = array<i64: 1000, 128>}, {pipeline_mode = #tpu.pipeline_mode<synchronous>, transform_indices = @transform_1, window_bounds = array<i64: 128, 128>}, {pipeline_mode = #tpu.pipeline_mode<synchronous>, transform_indices = @transform_2, window_bounds = array<i64: 128, 128>}, {transform_indices = @transform_3, window_bounds = array<i64: 1000, 128>}, {transform_indices = @transform_4, window_bounds = array<i64: 1000, 128>}]} {
    %get3A = arith.constant 0 : index
    %get3A_0 = arith.constant 0 : index
    %get3A_1 = vector.load %arg1[%get3A, %get3A_0] : memref<1000x128xf32, #tpu.memory_space<vmem>>, vector<1000x128xf32>
    %get3A_2 = arith.constant 0 : index
    %get3A_3 = arith.constant 0 : index
    %get3A_4 = vector.load %arg2[%get3A_2, %get3A_3] : memref<128x128xf32, #tpu.memory_space<vmem>>, vector<128x128xf32>
    %dot_general3A = arith.constant dense<0.000000e+00> : vector<1000x128xf32>
    %dot_general3A_5 = tpu.matmul %get3A_1, %get3A_4, %dot_general3A {dimension_numbers = #tpu.dot_dimension_numbers<[1], [0], [0], [1], [0, 0, 1, 1], [], []>, transpose_lhs_hint = false} : vector<1000x128xf32>, vector<128x128xf32>, vector<1000x128xf32> -> vector<1000x128xf32>
    %swap3A = arith.constant 0 : index
    %swap3A_6 = arith.constant 0 : index
    %swap3A_7 = vector.load %arg4[%swap3A, %swap3A_6] : memref<1000x128xf32, #tpu.memory_space<vmem>>, vector<1000x128xf32>
    tpu.vector_store %arg4[%swap3A, %swap3A_6], %dot_general3A_5 {strides = array<i32>} : memref<1000x128xf32, #tpu.memory_space<vmem>>, vector<1000x128xf32>,
    %get3A_8 = arith.constant 0 : index
    %get3A_9 = arith.constant 0 : index
    %get3A_10 = vector.load %arg3[%get3A_8, %get3A_9] : memref<128x128xf32, #tpu.memory_space<vmem>>, vector<128x128xf32>
    %dot_general3A_11 = arith.constant dense<0.000000e+00> : vector<1000x128xf32>
    %dot_general3A_12 = tpu.matmul %get3A_1, %get3A_10, %dot_general3A_11 {dimension_numbers = #tpu.dot_dimension_numbers<[1], [0], [0], [1], [0, 0, 1, 1], [], []>, transpose_lhs_hint = false} : vector<1000x128xf32>, vector<128x128xf32>, vector<1000x128xf32> -> vector<1000x128xf32>
    %swap3A_13 = arith.constant 0 : index
    %swap3A_14 = arith.constant 0 : index
    %swap3A_15 = vector.load %arg5[%swap3A_13, %swap3A_14] : memref<1000x128xf32, #tpu.memory_space<vmem>>, vector<1000x128xf32>
    tpu.vector_store %arg5[%swap3A_13, %swap3A_14], %dot_general3A_12 {strides = array<i32>} : memref<1000x128xf32, #tpu.memory_space<vmem>>, vector<1000x128xf32>,
    return
  }
  func.func @transform_0(%arg0: i32) -> (i32, i32) {
    %c0_i32 = arith.constant 0 : i32
    %c0_i32_0 = arith.constant 0 : i32
    return %arg0, %c0_i32 : i32, i32
  }
  func.func @transform_1(%arg0: i32) -> (i32, i32) {
    %c0_i32 = arith.constant 0 : i32
    %c0_i32_0 = arith.constant 0 : i32
    %c0_i32_1 = arith.constant 0 : i32
    return %c0_i32, %c0_i32_0 : i32, i32
  }
  func.func @transform_2(%arg0: i32) -> (i32, i32) {
    %c0_i32 = arith.constant 0 : i32
    %c0_i32_0 = arith.constant 0 : i32
    %c0_i32_1 = arith.constant 0 : i32
    return %c0_i32, %c0_i32_0 : i32, i32
  }
  func.func @transform_3(%arg0: i32) -> (i32, i32) {
    %c0_i32 = arith.constant 0 : i32
    %c0_i32_0 = arith.constant 0 : i32
    return %arg0, %c0_i32 : i32, i32
  }
  func.func @transform_4(%arg0: i32) -> (i32, i32) {
    %c0_i32 = arith.constant 0 : i32
    %c0_i32_0 = arith.constant 0 : i32
    return %arg0, %c0_i32 : i32, i32
  }
}

module attributes {stable_mosaic.version = 14 : i64} {
  func.func @_mid_body(%arg0: i32, %arg1: memref<1000x144xf32, #tpu.memory_space<vmem>>, %arg2: memref<1000x144xf32, #tpu.memory_space<vmem>>, %arg3: memref<1x128xf32, #tpu.memory_space<vmem>>, %arg4: memref<8x128xf32, #tpu.memory_space<vmem>>, %arg5: memref<128x64xf32, #tpu.memory_space<vmem>>, %arg6: memref<128x64xf32, #tpu.memory_space<vmem>>, %arg7: memref<1000x64xf32, #tpu.memory_space<vmem>>, %arg8: memref<1000x64xf32, #tpu.memory_space<vmem>>) attributes {dimension_semantics = [#tpu.dimension_semantics<arbitrary>], iteration_bounds = array<i64: 10>, scalar_prefetch = 0 : i64, scratch_operands = 0 : i64, tpu.core_type = #tpu.core_type<tc>, window_params = [{transform_indices = @transform_0, window_bounds = array<i64: 1000, 144>}, {transform_indices = @transform_1, window_bounds = array<i64: 1000, 144>}, {pipeline_mode = #tpu.pipeline_mode<synchronous>, transform_indices = @transform_2, window_bounds = array<i64: 1, 128>}, {pipeline_mode = #tpu.pipeline_mode<synchronous>, transform_indices = @transform_3, window_bounds = array<i64: 8, 128>}, {pipeline_mode = #tpu.pipeline_mode<synchronous>, transform_indices = @transform_4, window_bounds = array<i64: 128, 64>}, {pipeline_mode = #tpu.pipeline_mode<synchronous>, transform_indices = @transform_5, window_bounds = array<i64: 128, 64>}, {transform_indices = @transform_6, window_bounds = array<i64: 1000, 64>}, {transform_indices = @transform_7, window_bounds = array<i64: 1000, 64>}]} {
    %get3A = arith.constant 0 : index
    %get3A_0 = arith.constant 0 : index
    %get3A_1 = vector.load %arg1[%get3A, %get3A_0] : memref<1000x144xf32, #tpu.memory_space<vmem>>, vector<1000x144xf32>
    %get3A_2 = arith.constant 0 : index
    %get3A_3 = arith.constant 0 : index
    %get3A_4 = vector.load %arg2[%get3A_2, %get3A_3] : memref<1000x144xf32, #tpu.memory_space<vmem>>, vector<1000x144xf32>
    %add3A = arith.addf %get3A_1, %get3A_4 : vector<1000x144xf32>
    %slice3A = vector.extract_strided_slice %add3A {offsets = [0, 0], sizes = [1000, 128], strides = [1, 1]} : vector<1000x144xf32> to vector<1000x128xf32>
    %slice3A_5 = vector.extract_strided_slice %add3A {offsets = [0, 128], sizes = [1000, 8], strides = [1, 1]} : vector<1000x144xf32> to vector<1000x8xf32>
    %get3A_6 = arith.constant 0 : index
    %get3A_7 = arith.constant 0 : index
    %get3A_8 = vector.load %arg4[%get3A_6, %get3A_7] : memref<8x128xf32, #tpu.memory_space<vmem>>, vector<8x128xf32>
    %dot_general3A = arith.constant dense<0.000000e+00> : vector<1000x128xf32>
    %dot_general3A_9 = tpu.matmul %slice3A_5, %get3A_8, %dot_general3A {dimension_numbers = #tpu.dot_dimension_numbers<[1], [0], [0], [1], [0, 0, 1, 1], [], []>, transpose_lhs_hint = false} : vector<1000x8xf32>, vector<8x128xf32>, vector<1000x128xf32> -> vector<1000x128xf32>
    %add3A_10 = arith.constant 1.000000e-16 : f32
    %add3A_11 = vector.broadcast %add3A_10 : f32 to vector<1000x128xf32>
    %add3A_12 = arith.addf %dot_general3A_9, %add3A_11 : vector<1000x128xf32>
    %div3A = arith.divf %slice3A, %add3A_12 : vector<1000x128xf32>
    %get3A_13 = arith.constant 0 : index
    %get3A_14 = arith.constant 0 : index
    %get3A_15 = vector.load %arg3[%get3A_13, %get3A_14] : memref<1x128xf32, #tpu.memory_space<vmem>>, vector<1x128xf32>
    %add3A_16 = vector.broadcast %get3A_15 : vector<1x128xf32> to vector<1000x128xf32>
    %add3A_17 = arith.addf %div3A, %add3A_16 : vector<1000x128xf32>
    %gt3A = arith.constant 0.000000e+00 : f32
    %gt3A_18 = vector.broadcast %gt3A : f32 to vector<1000x128xf32>
    %gt3A_19 = arith.cmpf ogt, %add3A_17, %gt3A_18 : vector<1000x128xf32>
    %exp3A = math.exp %add3A_17 : vector<1000x128xf32>
    %sub3A = arith.constant 1.000000e+00 : f32
    %sub3A_20 = vector.broadcast %sub3A : f32 to vector<1000x128xf32>
    %sub3A_21 = arith.subf %exp3A, %sub3A_20 : vector<1000x128xf32>
    %select_n3A = arith.select %gt3A_19, %add3A_17, %sub3A_21 : vector<1000x128xi1>, vector<1000x128xf32>
    %get3A_22 = arith.constant 0 : index
    %get3A_23 = arith.constant 0 : index
    %get3A_24 = vector.load %arg5[%get3A_22, %get3A_23] : memref<128x64xf32, #tpu.memory_space<vmem>>, vector<128x64xf32>
    %dot_general3A_25 = arith.constant dense<0.000000e+00> : vector<1000x64xf32>
    %dot_general3A_26 = tpu.matmul %select_n3A, %get3A_24, %dot_general3A_25 {dimension_numbers = #tpu.dot_dimension_numbers<[1], [0], [0], [1], [0, 0, 1, 1], [], []>, transpose_lhs_hint = false} : vector<1000x128xf32>, vector<128x64xf32>, vector<1000x64xf32> -> vector<1000x64xf32>
    %swap3A = arith.constant 0 : index
    %swap3A_27 = arith.constant 0 : index
    %swap3A_28 = vector.load %arg7[%swap3A, %swap3A_27] : memref<1000x64xf32, #tpu.memory_space<vmem>>, vector<1000x64xf32>
    tpu.vector_store %arg7[%swap3A, %swap3A_27], %dot_general3A_26 {strides = array<i32>} : memref<1000x64xf32, #tpu.memory_space<vmem>>, vector<1000x64xf32>,
    %get3A_29 = arith.constant 0 : index
    %get3A_30 = arith.constant 0 : index
    %get3A_31 = vector.load %arg6[%get3A_29, %get3A_30] : memref<128x64xf32, #tpu.memory_space<vmem>>, vector<128x64xf32>
    %dot_general3A_32 = arith.constant dense<0.000000e+00> : vector<1000x64xf32>
    %dot_general3A_33 = tpu.matmul %select_n3A, %get3A_31, %dot_general3A_32 {dimension_numbers = #tpu.dot_dimension_numbers<[1], [0], [0], [1], [0, 0, 1, 1], [], []>, transpose_lhs_hint = false} : vector<1000x128xf32>, vector<128x64xf32>, vector<1000x64xf32> -> vector<1000x64xf32>
    %swap3A_34 = arith.constant 0 : index
    %swap3A_35 = arith.constant 0 : index
    %swap3A_36 = vector.load %arg8[%swap3A_34, %swap3A_35] : memref<1000x64xf32, #tpu.memory_space<vmem>>, vector<1000x64xf32>
    tpu.vector_store %arg8[%swap3A_34, %swap3A_35], %dot_general3A_33 {strides = array<i32>} : memref<1000x64xf32, #tpu.memory_space<vmem>>, vector<1000x64xf32>,
    return
  }
  func.func @transform_0(%arg0: i32) -> (i32, i32) {
    %c0_i32 = arith.constant 0 : i32
    %c0_i32_0 = arith.constant 0 : i32
    return %arg0, %c0_i32 : i32, i32
  }
  func.func @transform_1(%arg0: i32) -> (i32, i32) {
    %c0_i32 = arith.constant 0 : i32
    %c0_i32_0 = arith.constant 0 : i32
    return %arg0, %c0_i32 : i32, i32
  }
  func.func @transform_2(%arg0: i32) -> (i32, i32) {
    %c0_i32 = arith.constant 0 : i32
    %c0_i32_0 = arith.constant 0 : i32
    %c0_i32_1 = arith.constant 0 : i32
    return %c0_i32, %c0_i32_0 : i32, i32
  }
  func.func @transform_3(%arg0: i32) -> (i32, i32) {
    %c0_i32 = arith.constant 0 : i32
    %c0_i32_0 = arith.constant 0 : i32
    %c0_i32_1 = arith.constant 0 : i32
    return %c0_i32, %c0_i32_0 : i32, i32
  }
  func.func @transform_4(%arg0: i32) -> (i32, i32) {
    %c0_i32 = arith.constant 0 : i32
    %c0_i32_0 = arith.constant 0 : i32
    %c0_i32_1 = arith.constant 0 : i32
    return %c0_i32, %c0_i32_0 : i32, i32
  }
  func.func @transform_5(%arg0: i32) -> (i32, i32) {
    %c0_i32 = arith.constant 0 : i32
    %c0_i32_0 = arith.constant 0 : i32
    %c0_i32_1 = arith.constant 0 : i32
    return %c0_i32, %c0_i32_0 : i32, i32
  }
  func.func @transform_6(%arg0: i32) -> (i32, i32) {
    %c0_i32 = arith.constant 0 : i32
    %c0_i32_0 = arith.constant 0 : i32
    return %arg0, %c0_i32 : i32, i32
  }
  func.func @transform_7(%arg0: i32) -> (i32, i32) {
    %c0_i32 = arith.constant 0 : i32
    %c0_i32_0 = arith.constant 0 : i32
    return %arg0, %c0_i32 : i32, i32
  }
}

module attributes {stable_mosaic.version = 14 : i64} {
  func.func @_final_body(%arg0: i32, %arg1: memref<1000x80xf32, #tpu.memory_space<vmem>>, %arg2: memref<1000x80xf32, #tpu.memory_space<vmem>>, %arg3: memref<1x64xf32, #tpu.memory_space<vmem>>, %arg4: memref<1000x64xf32, #tpu.memory_space<vmem>>, %arg5: memref<1000x64xf32, #tpu.memory_space<vmem>>) attributes {dimension_semantics = [#tpu.dimension_semantics<arbitrary>], iteration_bounds = array<i64: 10>, scalar_prefetch = 0 : i64, scratch_operands = 0 : i64, tpu.core_type = #tpu.core_type<tc>, window_params = [{transform_indices = @transform_0, window_bounds = array<i64: 1000, 80>}, {transform_indices = @transform_1, window_bounds = array<i64: 1000, 80>}, {pipeline_mode = #tpu.pipeline_mode<synchronous>, transform_indices = @transform_2, window_bounds = array<i64: 1, 64>}, {transform_indices = @transform_3, window_bounds = array<i64: 1000, 64>}, {transform_indices = @transform_4, window_bounds = array<i64: 1000, 64>}]} {
    %get3A = arith.constant 0 : index
    %get3A_0 = arith.constant 0 : index
    %get3A_1 = vector.load %arg1[%get3A, %get3A_0] : memref<1000x80xf32, #tpu.memory_space<vmem>>, vector<1000x80xf32>
    %get3A_2 = arith.constant 0 : index
    %get3A_3 = arith.constant 0 : index
    %get3A_4 = vector.load %arg2[%get3A_2, %get3A_3] : memref<1000x80xf32, #tpu.memory_space<vmem>>, vector<1000x80xf32>
    %add3A = arith.addf %get3A_1, %get3A_4 : vector<1000x80xf32>
    %slice3A = vector.extract_strided_slice %add3A {offsets = [0, 0], sizes = [1000, 64], strides = [1, 1]} : vector<1000x80xf32> to vector<1000x64xf32>
    %slice3A_5 = vector.extract_strided_slice %add3A {offsets = [0, 64], sizes = [1000, 1], strides = [1, 1]} : vector<1000x80xf32> to vector<1000x1xf32>
    %add3A_6 = arith.constant 1.000000e-16 : f32
    %add3A_7 = vector.broadcast %add3A_6 : f32 to vector<1000x1xf32>
    %add3A_8 = arith.addf %slice3A_5, %add3A_7 : vector<1000x1xf32>
    %div3A = vector.broadcast %add3A_8 : vector<1000x1xf32> to vector<1000x64xf32>
    %div3A_9 = arith.divf %slice3A, %div3A : vector<1000x64xf32>
    %get3A_10 = arith.constant 0 : index
    %get3A_11 = arith.constant 0 : index
    %get3A_12 = vector.load %arg3[%get3A_10, %get3A_11] : memref<1x64xf32, #tpu.memory_space<vmem>>, vector<1x64xf32>
    %add3A_13 = vector.broadcast %get3A_12 : vector<1x64xf32> to vector<1000x64xf32>
    %add3A_14 = arith.addf %div3A_9, %add3A_13 : vector<1000x64xf32>
    %swap3A = arith.constant 0 : index
    %swap3A_15 = arith.constant 0 : index
    %swap3A_16 = vector.load %arg4[%swap3A, %swap3A_15] : memref<1000x64xf32, #tpu.memory_space<vmem>>, vector<1000x64xf32>
    tpu.vector_store %arg4[%swap3A, %swap3A_15], %add3A_14 {strides = array<i32>} : memref<1000x64xf32, #tpu.memory_space<vmem>>, vector<1000x64xf32>,
    %reduce_max3A = arith.constant dense<0xFF800000> : vector<1000xf32>
    %reduce_max3A_17 = vector.multi_reduction <maximumf>, %add3A_14, %reduce_max3A [1] : vector<1000x64xf32> to vector<1000xf32>
    %broadcast_in_dim3A = vector.shape_cast %reduce_max3A_17 : vector<1000xf32> to vector<1000x1xf32>
    %sub3A = vector.broadcast %broadcast_in_dim3A : vector<1000x1xf32> to vector<1000x64xf32>
    %sub3A_18 = arith.subf %add3A_14, %sub3A : vector<1000x64xf32>
    %exp3A = math.exp %sub3A_18 : vector<1000x64xf32>
    %reduce_sum3A = arith.constant dense<0.000000e+00> : vector<1000xf32>
    %reduce_sum3A_19 = vector.multi_reduction <add>, %exp3A, %reduce_sum3A [1] : vector<1000x64xf32> to vector<1000xf32>
    %broadcast_in_dim3A_20 = vector.shape_cast %reduce_sum3A_19 : vector<1000xf32> to vector<1000x1xf32>
    %log3A = math.log %broadcast_in_dim3A_20 : vector<1000x1xf32>
    %sub3A_21 = vector.broadcast %log3A : vector<1000x1xf32> to vector<1000x64xf32>
    %sub3A_22 = arith.subf %sub3A_18, %sub3A_21 : vector<1000x64xf32>
    %swap3A_23 = arith.constant 0 : index
    %swap3A_24 = arith.constant 0 : index
    %swap3A_25 = vector.load %arg5[%swap3A_23, %swap3A_24] : memref<1000x64xf32, #tpu.memory_space<vmem>>, vector<1000x64xf32>
    tpu.vector_store %arg5[%swap3A_23, %swap3A_24], %sub3A_22 {strides = array<i32>} : memref<1000x64xf32, #tpu.memory_space<vmem>>, vector<1000x64xf32>,
    return
  }
  func.func @transform_0(%arg0: i32) -> (i32, i32) {
    %c0_i32 = arith.constant 0 : i32
    %c0_i32_0 = arith.constant 0 : i32
    return %arg0, %c0_i32 : i32, i32
  }
  func.func @transform_1(%arg0: i32) -> (i32, i32) {
    %c0_i32 = arith.constant 0 : i32
    %c0_i32_0 = arith.constant 0 : i32
    return %arg0, %c0_i32 : i32, i32
  }
  func.func @transform_2(%arg0: i32) -> (i32, i32) {
    %c0_i32 = arith.constant 0 : i32
    %c0_i32_0 = arith.constant 0 : i32
    %c0_i32_1 = arith.constant 0 : i32
    return %c0_i32, %c0_i32_0 : i32, i32
  }
  func.func @transform_3(%arg0: i32) -> (i32, i32) {
    %c0_i32 = arith.constant 0 : i32
    %c0_i32_0 = arith.constant 0 : i32
    return %arg0, %c0_i32 : i32, i32
  }
  func.func @transform_4(%arg0: i32) -> (i32, i32) {
    %c0_i32 = arith.constant 0 : i32
    %c0_i32_0 = arith.constant 0 : i32
    return %arg0, %c0_i32 : i32, i32
  }
}

</mosaic_0001>

<sc_bundles>
// kernel: kernel.10.cloned.1.call-start
scs
__scs_entry_jumppad:
0x0: {  	(pc) =	sbr.rel $0x88, $3  }
0x1: {  	(tag) =	ssettag $0x0;
	lr =	simm.s32 $0x1  }
0x2: {  	[smem:$0x3F97] =	sst lr;
	_ =	strace $0xD0000000  }
0x3: {  	_ = 	snop  }
0x4: {  	_ = 	snop  }
0x5: {  	_ = 	snop  }
0x6: {  	_ = 	snop  }
0x7: {  	_ = 	snop  }
__scs_overlays_trampoline_lowered:
0x8: {  	[smem:$0x3FA6] =	sst s0  }
0x9: {  	[smem:$0x3FA7] =	sst s1  }
0xa: {  	[smem:$0x3FA8] =	sst s2  }
0xb: {  	[smem:$0x3FA9] =	sst s3  }
0xc: {  	[smem:$0x3FAA] =	sst s4  }
0xd: {  	[smem:$0x3FAB] =	sst s5  }
0xe: {  	[smem:$0x3FAC] =	sst s6  }
0xf: {  	[smem:$0x3FAD] =	sst s7  }
0x10: {  	[smem:$0x3FAE] =	sst s8  }
0x11: {  	[smem:$0x3FAF] =	sst s9;
	s0 =	simm.s32 @!p0 $0x0  }
0x12: {  	s1 =	sld [smem:$0x3F95];
	s0 =	simm.s32 @p0 $0x1  }
0x13: {  	[smem:$0x3FB0] =	sst s0;
	s0 =	simm.s32 @!p1 $0x0  }
0x14: {  	s2 =	sld [smem:$0x3F94];
	s0 =	simm.s32 @p1 $0x1  }
0x15: {  	[smem:$0x3FB1] =	sst s0;
	s0 =	simm.s32 @!p2 $0x0  }
0x16: {  	s3 =	sld [smem:$0x3FDB];
	s0 =	simm.s32 @p2 $0x1  }
0x17: {  	s4 =	simm.s32 $0x1BF5;
	[smem:$0x3FB3] =	sst s0  }
0x18: {  	s0 =	sld [smem:$0x3F96];
	_ =	swait.ge [sflag:s4], $0x0  }
0x19: {  	s7 =	sld [smem:$0x3F97]  }
0x1a: {  	s8 =	sadd.s32 $0xFFFFE003, lr  }
0x1b: {  	s9 =	sadd.s32 $0xFFFFFEF7, lr;
	s5 =	simm.s32 $0xFFFFFFFF;
	p2 =	slt.u32 s8, $0xFFFFF086  }
0x1c: {  	p1 =	slt.u32 s9, $0xF7A;
	s5 =	simm.s32 @!p2 $0x0  }
0x1d: {  	s5 =	simm.s32 @p1 $0x1;
	p0 =	seq.s32 s7, s2  }
0x1e: {  	s7 =	smul.u32 @!p0 $0xF7A, s2;
	p2 =	seq.s32 @!p0 s5, $0x0  }
0x1f: {  	s9 =	smul.u32 $0xF7A, s1;
	s8 =	simm.s32 @!p0 $0x1BF5;
	p2 =	por !p2, p0  }
0x20: {  	[sflag:s8] =	ssyncset.s32 @!p0 $0xFFFFF086;
	s6 =	sadd.s32 @!p0 s3, s7;
	s7 =	simm.s32 @!p0 $0x108  }
0x21: {  	s3 =	sadd.s32 s3, s9;
	s6 =	sadd.s32 @!p0 $0x88, s6;
	s7 =	simm.s32 @p2 $0x1082  }
0x22: {  	[simem:s7], [sflag:s8] =	dma.local @!p0 [hbm:s6], $0xF7A  }
0x23: {  	s9 =	sor.u32 $0xD0000000, s2;
	s6 =	simm.s32 $0x108;
	_ =	swait.ge @!p0 [sflag:s8], $0x0  }
0x24: {  	s3 =	sadd.s32 $0x88, s3;
	s6 =	simm.s32 @!p1 $0x1082;
	[sflag:s4] =	ssyncset.s32 $0xFFFFF086  }
0x25: {  	[simem:s6], [sflag:s4] =	dma.local [hbm:s3], $0xF7A  }
0x26: {  	[smem:$0x3F97] =	sst s1;
	(tag) =	ssettag s2;
	_ =	strace s9  }
0x27: {  	s1 =	sld [smem:$0x3FA7]  }
0x28: {  	s2 =	sld [smem:$0x3FA8]  }
0x29: {  	s4 =	sld [smem:$0x3FAA]  }
0x2a: {  	p0 =	seq.s32 s5, $0x0;
	s5 =	sld [smem:$0x3FAB]  }
0x2b: {  	s6 =	sld [smem:$0x3FAC]  }
0x2c: {  	s7 =	sld [smem:$0x3FAD]  }
0x2d: {  	s3 =	simm.s32 $0x108;
	s8 =	sld [smem:$0x3FAE]  }
0x2e: {  	s3 =	simm.s32 @!p0 $0x1082;
	s9 =	sld [smem:$0x3FAF]  }
0x2f: {  	lr =	sadd.s32 s0, s3;
	s0 =	sld [smem:$0x3FA6]  }
0x30: {  	s3 =	sld [smem:$0x3FA9]  }
0x31: {  	[smem:$0x3FB2] =	sst s10  }
0x32: {  	s10 =	sld [smem:$0x3FB0];
	_ =	sdelay $0x3  }
0x33: {  	p0 =	seq.s32 s10, $0x1;
	s10 =	sld [smem:$0x3FB2];
	_ =	sdelay $0x3  }
0x34: {  	[smem:$0x3FB2] =	sst s10  }
0x35: {  	s10 =	sld [smem:$0x3FB1];
	_ =	sdelay $0x3  }
0x36: {  	p1 =	seq.s32 s10, $0x1;
	s10 =	sld [smem:$0x3FB2];
	_ =	sdelay $0x3  }
0x37: {  	[smem:$0x3FB2] =	sst s10  }
0x38: {  	s10 =	sld [smem:$0x3FB3]  }
0x39: {  	_ = 	snop;
	(pc) =	sbr.ind lr, $3  }
0x3a: {  	_ = 	snop  }
0x3b: {  	_ = 	snop  }
0x3c: {  	p2 =	seq.s32 s10, $0x1;
	s10 =	sld [smem:$0x3FB2]  }
0x3d: {  	_ =	shalt  }
0x3e: {  	_ =	shalt  }
0x3f: {  	_ =	shalt  }
0x40: {  	_ =	shalt  }
0x41: {  	_ =	shalt  }
0x42: {  	_ =	shalt  }
0x43: {  	_ =	shalt  }
0x44: {  	_ =	shalt  }
0x45: {  	_ =	shalt  }
0x46: {  	_ =	shalt  }
0x47: {  	_ =	shalt  }
0x48: {  	_ =	shalt  }
0x49: {  	_ =	shalt  }
0x4a: {  	_ =	shalt  }
0x4b: {  	_ =	shalt  }
0x4c: {  	_ =	shalt  }
0x4d: {  	_ =	shalt  }
0x4e: {  	_ =	shalt  }
0x4f: {  	_ =	shalt  }
0x50: {  	_ =	shalt  }
0x51: {  	_ =	shalt  }
0x52: {  	_ =	shalt  }
0x53: {  	_ =	shalt  }
0x54: {  	_ =	shalt  }
0x55: {  	_ =	shalt  }
0x56: {  	_ =	shalt  }
0x57: {  	_ =	shalt  }
0x58: {  	_ =	shalt  }
0x59: {  	_ =	shalt  }
0x5a: {  	_ =	shalt  }
0x5b: {  	_ =	shalt  }
0x5c: {  	_ =	shalt  }
0x5d: {  	_ =	shalt  }
0x5e: {  	_ =	shalt  }
0x5f: {  	_ =	shalt  }
0x60: {  	_ =	shalt  }
0x61: {  	_ =	shalt  }
0x62: {  	_ =	shalt  }
0x63: {  	_ =	shalt  }
0x64: {  	_ =	shalt  }
0x65: {  	_ =	shalt  }
0x66: {  	_ =	shalt  }
0x67: {  	_ =	shalt  }
0x68: {  	_ =	shalt  }
0x69: {  	_ =	shalt  }
0x6a: {  	_ =	shalt  }
0x6b: {  	_ =	shalt  }
0x6c: {  	_ =	shalt  }
0x6d: {  	_ =	shalt  }
0x6e: {  	_ =	shalt  }
0x6f: {  	_ =	shalt  }
0x70: {  	_ =	shalt  }
0x71: {  	_ =	shalt  }
0x72: {  	_ =	shalt  }
0x73: {  	_ =	shalt  }
0x74: {  	_ =	shalt  }
0x75: {  	_ =	shalt  }
0x76: {  	_ =	shalt  }
0x77: {  	_ =	shalt  }
0x78: {  	_ =	shalt  }
0x79: {  	_ =	shalt  }
0x7a: {  	_ =	shalt  }
0x7b: {  	_ =	shalt  }
0x7c: {  	_ =	shalt  }
0x7d: {  	_ =	shalt  }
0x7e: {  	_ =	shalt  }
0x7f: {  	_ =	shalt  }
0x80: {  	_ =	shalt  }
0x81: {  	_ =	shalt  }
0x82: {  	_ =	shalt  }
0x83: {  	_ =	shalt  }
0x84: {  	_ =	shalt  }
0x85: {  	_ =	shalt  }
0x86: {  	_ =	shalt  }
0x87: {  	_ =	shalt  }
.Lfunc_end0:
.L_simem_size_0:
called_computation.1_lowered:
.L_overlay_start_0:
0x88: {  	s2 =	sld [smem:$0x3FD9]  }
0x89: {  	s3 =	sld [smem:$0x3FFE];
	_ =	sdelay $0x1  }
0x8a: {  	s1 =	srdreg.scid  }
0x8b: {  	s0 =	sand.u32 $0x1, s1  }
0x8c: {  	s14 =	sshll.u32 s0, $0xA;
	s2 =	sadd.s32 s3, s2  }
0x8d: {  	s2 =	sadd.s32 s2, s14  }
0x8e: {  	[smem:$0x3FBE] =	sst s2  }
0x8f: {  	_ = 	snop  }
0x90: {  	s2 =	sld [smem:$0x3FD0];
	_ =	sdelay $0x2  }
0x91: {  	s4 =	simm.s32 $0xA;
	s5 =	simm.s32 $0x10;
	s15 =	sld [smem:$0x3FC1]  }
0x92: {  	[smem:s5], [sflag:s4] =	dma.local [hbm:s2], $0x1  }
0x93: {  	_ =	swait.eq [sflag:s4], $0x1  }
0x94: {  	[sflag:s4] =	ssyncset.done $0x0  }
0x95: {  	s16 =	sld [smem:$0x10];
	[sflag:s4] =	ssyncadd.s32 $0xFFFFFFFF  }
0x96: {  	s17 =	sld [smem:$0x11];
	(tm) =	ssettm $0x1  }
0x97: {  	s18 =	sld [smem:$0x3FFB];
	_ =	sdelay $0x3  }
0x98: {  	_ =	strace s18  }
0x99: {  	s5 =	sld [smem:$0x3FFC];
	_ =	sdelay $0x3  }
0x9a: {  	_ =	strace s5  }
0x9b: {  	s5 =	sld [smem:$0x3FFD];
	_ =	sdelay $0x3  }
0x9c: {  	_ =	strace s5  }
0x9d: {  	_ =	strace $0x8FFFFFFF  }
0x9e: {  	s19 =	sld [smem:$0x3FDB];
	_ =	sdelay $0x1  }
0x9f: {  	s6 =	simm.s32 $_scs_section_size  }
0xa0: {  	s7 =	simm.s32 $_size__tile_overlayer_lowered;
	s8 =	simm.s32 $_tile_overlayer_lowered  }
0xa1: {  	s22 =	simm.s32 $0x1BFF;
	s21 =	sshll.u32 s8, $0x1;
	s5 =	sadd.s32 s6, s19  }
0xa2: {  	s9 =	simm.s32 $0x0;
	s20 =	sshll.u32 s7, $0x1;
	s7 =	sadd.s32 s21, s5  }
0xa3: {  	[timem:s9], [sflag:s22] =	dma.local [hbm:s7], s20  }
0xa4: {  	_ =	swait.ge [sflag:s22], s20  }
0xa5: {  	s6 =	ssub.s32 $0x0, s20;
	[sflag:s22] =	ssyncset.done $0x0  }
0xa6: {  	[sflag:s22] =	ssyncadd.s32 s6;
	_ =	sdelay $0x1  }
0xa7: {  	s23 =	simm.s32 $0x1B8B  }
0xa8: {  	_ =	swait.ge [sflag:s23], $0x1  }
0xa9: {  	[sflag:s23] =	ssyncset.done $0x0  }
0xaa: {  	s25 =	simm.s32 $0x1B8E;
	s24 =	sld [smem:$0x3FFE];
	[sflag:s23] =	ssyncadd.s32 $0xFFFFFFFF  }
0xab: {  	s26 =	simm.s32 $execute0_lowered;
	[smem:$0x3FD2] =	sst s25  }
0xac: {  	s7 =	sshll.u32 s26, $0x1;
	_ =	strace $0x80000049;
	[dreg:$0x1] =	wrdreg $0xFFFFFFFF  }
0xad: {  	s28 =	simm.s32 $_size_execute0_lowered;
	s5 =	sadd.s32 s5, s7;
	[dreg:$0x0] =	wrdreg $0x0  }
0xae: {  	s7 =	sshll.u32 s28, $0x1;
	[dreg:$0x2] =	wrdreg s5  }
0xaf: {  	[dreg:$0x3] =	wrdreg s7  }
0xb0: {  	[dreg:$0x4] =	wrdreg $0xC0  }
0xb1: {  	_ =	task [dreg:s9], $0x5FFFF  }
0xb2: {  	[dreg:$0x1] =	wrdreg $0xFFFFFFFF  }
0xb3: {  	[dreg:$0x0] =	wrdreg $0x60  }
0xb4: {  	[dreg:$0x2] =	wrdreg s17  }
0xb5: {  	[dreg:$0x3] =	wrdreg s16  }
0xb6: {  	[dreg:$0x4] =	wrdreg s24  }
0xb7: {  	[dreg:$0x5] =	wrdreg s15  }
0xb8: {  	[dreg:$0x6] =	wrdreg $0x44600  }
0xb9: {  	[dreg:$0x7] =	wrdreg $0x9  }
0xba: {  	_ =	task.clear_ibuf [dreg:s9], $0x8FFFF;
	_ =	strace $0x90000049  }
0xbb: {  	s29 =	simm.s32 $0x9;
	_ =	strace $0x8000004B  }
0xbc: {  	_ =	swait.ge [sflag:s29], $0x1  }
0xbd: {  	[sflag:s29] =	ssyncadd.s32 $0xFFFFFFFF  }
0xbe: {  	_ =	strace $0x9000004B  }
0xbf: {  	_ =	sfence  }
0xc0: {  	s30 =	sld [smem:$0x0];
	_ =	sdelay $0x2  }
0xc1: {  	s31 =	sshll.u32 s1, $0xD;
	s1 =	sshrl.u32 s1, $0x2  }
0xc2: {  	s3 =	sand.u32 $0x4000, s31;
	s1 =	sadd.s32 s1, s30  }
0xc3: {  	s0 =	sor.u32 s3, s0;
	s1 =	sshll.u32 s1, $0x11  }
0xc4: {  	s0 =	sor.u32 s1, s0  }
0xc5: {  	s0 =	sadd.s32 $0x8F2B, s0  }
0xc6: {  	[sflag:s0] =	ssyncadd.remote.s32 $0x1  }
0xc7: {  	_ =	sfence.sel $0xFFFF  }
0xc8: {  	[dreg:$0x0] =	wrdreg $0xFFFFFFFF;
	(pc) =	sbr.abs _section_cstart, $3  }
0xc9: {  	[dreg:$0x1] =	wrdreg $0xFFFFFFFF  }
0xca: {  	_ =	task.clear_ibuf [dreg:s9], $0x2FFFF;
	_ =	strace $0x9FFFFFFF  }
0xcb: {  	(tm) =	ssettm $0x7FFFFFFF  }
tec
execute0_lowered:
.L_overlay_start_1:
0x0: {  	(tag) =	ssettag $0x1  }
0x1: {  	s0 =	rddreg [dreg:$0x0]  }
0x2: {  	s2 =	rddreg [dreg:$0x1]  }
0x3: {  	s7 =	rddreg [dreg:$0x2]  }
0x4: {  	s4 =	rddreg [dreg:$0x3]  }
0x5: {  	s5 =	rddreg [dreg:$0x4]  }
0x6: {  	s1 =	srdreg.scid;
	s3 =	rddreg [dreg:$0x5]  }
0x7: {  	s6 =	simm.s32 $0x0;
	s14 =	simm.s32 $0x41A0;
	s15 =	simm.s32 $0x50  }
0x8: {  	s16 =	simm.s32 $0xA0;
	s17 =	simm.s32 $0x14A0;
	s8 =	sand.u32 $0x1, s1  }
0x9: {  	s18 =	simm.s32 $0x1;
	s1 =	stileid.u32;
	s9 =	smul.u32 $0x27100, s8  }
0xa: {  	s19 =	simm.s32 $0x2;
	s20 =	simm.s32 $0x28A0;
	s10 =	smul.u32 $0x2710, s1  }
0xb: {  	s23 =	simm.s32 $0x0;
	[smem:$0x7FF] =	sst s6;
	s11 =	smul.u32 $0xC8000, s8  }
0xc: {  	s12 =	smul.u32 $0xC800, s1;
	_ =	strace $0x8000004A;
	s8 =	ssub.s32 $0x2, s8  }
0xd: {  	s29 =	smul.u32 $0x32000, s1;
	s21 =	sshll.u32 s1, $0x6;
	s30 =	sshrl.u32 s8, $0x1  }
0xe: {  	s21 =	sor.u32 $0x1C03, s21;
	s9 =	sadd.s32 s10, s9;
	s28 =	sadd.s32 s12, s11  }
0xf: {  	s8 =	ssub.s32 s8, s30;
	s31 =	sshrl.u32 s29, $0x2;
	s22 =	sadd.s32 s12, s5  }
0x10: {  	s12 =	simm.s32 $0x41E0;
	s9 =	sshrl.u32 s9, $0x3;
	s10 =	sshrl.u32 s28, $0x3  }
0x11: {  	s8 =	smax.u32 s8, $0x1;
	s13 =	sadd.s32 s9, s7;
	s7 =	sadd.s32 s10, s7  }
0x12: {  	s22 =	sshrl.u32 s22, $0x3;
	s9 =	sadd.s32 s31, s5;
	s7 =	sadd.s32 $0x15A00, s7  }
0x13: {  	v0 =	vimm.f32 $0.0e+00;
	s10 =	sadd.s32 $0x1E00, s13;
	s11 =	sadd.s32 $0xBC00, s13;
	s13 =	simm.s32 $0x3  }
.LBB2_1:
0x14: {  	[tilespmem:$0x41E0] =	vst v0  }
0x15: {  	[tilespmem:$0x41F0] =	vst v0  }
0x16: {  	[tilespmem:$0x4200] =	vst v0  }
0x17: {  	[tilespmem:$0x4210] =	vst v0  }
0x18: {  	[tilespmem:$0x4220] =	vst v0  }
0x19: {  	[tilespmem:$0x4230] =	vst v0  }
0x1a: {  	[tilespmem:$0x4240] =	vst v0  }
0x1b: {  	[tilespmem:$0x4250] =	vst v0  }
0x1c: {  	[tilespmem:$0x4260] =	vst v0  }
0x1d: {  	[tilespmem:$0x4270] =	vst v0  }
0x1e: {  	[tilespmem:$0x4280] =	vst v0  }
0x1f: {  	[tilespmem:$0x4290] =	vst v0  }
0x20: {  	[tilespmem:$0x42A0] =	vst v0  }
0x21: {  	[tilespmem:$0x42B0] =	vst v0  }
0x22: {  	[tilespmem:$0x42C0] =	vst v0  }
0x23: {  	[tilespmem:$0x42D0] =	vst v0  }
0x24: {  	[tilespmem:$0x42E0] =	vst v0  }
0x25: {  	[tilespmem:$0x42F0] =	vst v0  }
0x26: {  	[tilespmem:$0x4300] =	vst v0  }
0x27: {  	[tilespmem:$0x4310] =	vst v0  }
0x28: {  	[tilespmem:$0x4320] =	vst v0  }
0x29: {  	[tilespmem:$0x4330] =	vst v0  }
0x2a: {  	[tilespmem:$0x4340] =	vst v0  }
0x2b: {  	[tilespmem:$0x4350] =	vst v0  }
0x2c: {  	[tilespmem:$0x4360] =	vst v0  }
0x2d: {  	[tilespmem:$0x4370] =	vst v0  }
0x2e: {  	[tilespmem:$0x4380] =	vst v0  }
0x2f: {  	[tilespmem:$0x4390] =	vst v0  }
0x30: {  	[tilespmem:$0x43A0] =	vst v0  }
0x31: {  	[tilespmem:$0x43B0] =	vst v0  }
0x32: {  	[tilespmem:$0x43C0] =	vst v0  }
0x33: {  	[tilespmem:$0x43D0] =	vst v0  }
0x34: {  	[tilespmem:$0x43E0] =	vst v0  }
0x35: {  	[tilespmem:$0x43F0] =	vst v0  }
0x36: {  	[tilespmem:$0x4400] =	vst v0  }
0x37: {  	[tilespmem:$0x4410] =	vst v0  }
0x38: {  	[tilespmem:$0x4420] =	vst v0  }
0x39: {  	[tilespmem:$0x4430] =	vst v0  }
0x3a: {  	[tilespmem:$0x4440] =	vst v0  }
0x3b: {  	[tilespmem:$0x4450] =	vst v0;
	s24 =	sadd.s32 $0x0, s9  }
0x3c: {  	[spmem:s24] =	stream.linear.scatter [tilespmem:s12], [sflag:$0x3], $0x280, $0x38;
	[tilespmem:$0x10C60] =	vst v63  }
0x3d: {  	s24 =	simm.s32 $0xA00;
	_ =	swait.ge [sflag:s13], $0x280  }
.LBB2_2:
0x3e: {  	s25 =	sshra.s32 s24, $0x2;
	[sflag:s13] =	ssyncset.done $0x0;
	p0 =	sne.s32 s24, $0x31600  }
.Ltmp0:
0x3f: {  	s25 =	sadd.s32 s25, s9;
	[sflag:s13] =	ssyncadd.s32 $0xFFFFFD80;
	(pc) =	sbr.rel @p0 .LBB2_2-.Ltmp0, $3  }
0x40: {  	[spmem:s25] =	stream.linear.scatter [tilespmem:s12], [sflag:$0x3], $0x280, $0x38;
	[tilespmem:$0x10C60] =	vst v63  }
0x41: {  	s24 =	sadd.s32 $0xA00, s24;
	_ =	sdelay $0x1  }
0x42: {  	_ =	swait.ge [sflag:s13], $0x280  }
0x43: {  	[sflag:s13] =	ssyncset.done $0x0  }
0x44: {  	[sflag:s13] =	ssyncadd.s32 $0xFFFFFD80  }
0x45: {  	s24 =	simm.s32 $0x0;
	[bflag:$0x0] =	sbarrier.arrive $0xFFFF  }
0x46: {  	[tilespmem:s14], [sflag:$0x3] =	stream.linear.gather [hbm4b:s4+s24], $0x40, $0x38;
	[tilespmem:$0x10C60] =	vst v63  }
0x47: {  	_ =	swait.ge [sflag:s13], $0x40  }
0x48: {  	[sflag:s13] =	ssyncset.done $0x0  }
0x49: {  	s30 =	sadd.s32 $0x0, s11;
	[sflag:s13] =	ssyncadd.s32 $0xFFFFFFC0  }
0x4a: {  	[tilespmem:s6], [sflag:$0x3] =	stream.linear.gather [hbm4b:s30+s6], $0x50, $0x38;
	[tilespmem:$0x10C60] =	vst v63  }
0x4b: {  	_ =	swait.ge [sflag:s13], $0x50  }
0x4c: {  	[sflag:s13] =	ssyncset.done $0x0  }
0x4d: {  	s31 =	sadd.s32 $0x0, s10;
	[sflag:s13] =	ssyncadd.s32 $0xFFFFFFB0  }
0x4e: {  	[tilespmem:s15], [sflag:$0x3] =	stream.linear.gather [hbm4b:s31+s6], $0x50, $0x38;
	[tilespmem:$0x10C60] =	vst v63  }
0x4f: {  	_ =	swait.ge [sflag:s13], $0x50  }
0x50: {  	[sflag:s13] =	ssyncset.done $0x0  }
0x51: {  	[sflag:s13] =	ssyncadd.s32 $0xFFFFFFB0  }
0x52: {  	[tilespmem:s16], [sflag:$0x1] =	stream.indirect.gather [hbm4b:s0+s15], $0x40, s6, s15, $0xb8;
	[tilespmem:$0x10C60] =	vst v63  }
0x53: {  	_ = 	snop  }
0x54: {  	[tilespmem:s17], [sflag:$0x2] =	stream.indirect.gather [hbm4b:s2+s15], $0x40, s15, s15, $0xb8;
	[tilespmem:$0x10C60] =	vst v63  }
0x55: {  	_ =	swait.ge [sflag:s18], $0x1400  }
0x56: {  	[sflag:s18] =	ssyncset.done $0x0  }
0x57: {  	[sflag:s18] =	ssyncadd.s32 $0xFFFFEC00  }
0x58: {  	_ =	swait.ge [sflag:s19], $0x1400  }
0x59: {  	[sflag:s19] =	ssyncset.done $0x0  }
0x5a: {  	[sflag:s19] =	ssyncadd.s32 $0xFFFFEC00  }
0x5b: {  	[spmem:s5] =	stream.indirect.scatter.add.f32 [tilespmem:s20], [sflag:$0x3], $0x50, s15, s15, $0xb8;
	[tilespmem:$0x10C60] =	vst v63  }
0x5c: {  	_ =	swait.ge [sflag:s13], $0x1900  }
0x5d: {  	s25 =	simm.s32 $0x14;
	s24 =	simm.s32 $0xA;
	[sflag:s13] =	ssyncset.done $0x0  }
.LBB2_4:
0x5e: {  	s26 =	sadd.s32 s24, s11  }
0x5f: {  	[sflag:s13] =	ssyncadd.s32 $0xFFFFE700;
	s28 =	smov.u32 s25;
	s29 =	sadd.s32 $0xA, s25  }
0x60: {  	[tilespmem:s6], [sflag:$0x3] =	stream.linear.gather [hbm4b:s26+s6], $0x50, $0x38;
	[tilespmem:$0x10C60] =	vst v63  }
0x61: {  	p0 =	sne.s32 s25, $0x4D8;
	_ =	swait.ge [sflag:s13], $0x50  }
0x62: {  	[sflag:s13] =	ssyncset.done $0x0  }
0x63: {  	s25 =	sadd.s32 s24, s10;
	s24 =	smov.u32 s28;
	[sflag:s13] =	ssyncadd.s32 $0xFFFFFFB0  }
0x64: {  	[tilespmem:s15], [sflag:$0x3] =	stream.linear.gather [hbm4b:s25+s6], $0x50, $0x38;
	[tilespmem:$0x10C60] =	vst v63  }
0x65: {  	_ =	swait.ge [sflag:s13], $0x50  }
0x66: {  	[sflag:s13] =	ssyncset.done $0x0  }
0x67: {  	[sflag:s13] =	ssyncadd.s32 $0xFFFFFFB0  }
0x68: {  	[tilespmem:s16], [sflag:$0x1] =	stream.indirect.gather [hbm4b:s0+s15], $0x40, s6, s15, $0xb8;
	[tilespmem:$0x10C60] =	vst v63  }
0x69: {  	_ = 	snop  }
0x6a: {  	[tilespmem:s17], [sflag:$0x2] =	stream.indirect.gather [hbm4b:s2+s15], $0x40, s15, s15, $0xb8;
	[tilespmem:$0x10C60] =	vst v63  }
0x6b: {  	_ =	swait.ge [sflag:s18], $0x1400  }
0x6c: {  	[sflag:s18] =	ssyncset.done $0x0  }
0x6d: {  	[sflag:s18] =	ssyncadd.s32 $0xFFFFEC00  }
0x6e: {  	_ =	swait.ge [sflag:s19], $0x1400  }
.Ltmp1:
0x6f: {  	[sflag:s19] =	ssyncset.done $0x0;
	(pc) =	sbr.rel @p0 .LBB2_4-.Ltmp1, $4  }
0x70: {  	[sflag:s19] =	ssyncadd.s32 $0xFFFFEC00  }
0x71: {  	[spmem:s5] =	stream.indirect.scatter.add.f32 [tilespmem:s20], [sflag:$0x3], $0x50, s15, s15, $0xb8;
	[tilespmem:$0x10C60] =	vst v63  }
0x72: {  	_ =	swait.ge [sflag:s13], $0x1900  }
0x73: {  	s25 =	smov.u32 s29;
	[sflag:s13] =	ssyncset.done $0x0  }
0x74: {  	s25 =	sadd.s32 s24, s11;
	[sflag:s13] =	ssyncadd.s32 $0xFFFFE700  }
0x75: {  	[tilespmem:s6], [sflag:$0x3] =	stream.linear.gather [hbm4b:s25+s6], $0x50, $0x38;
	[tilespmem:$0x10C60] =	vst v63  }
0x76: {  	_ =	swait.ge [sflag:s13], $0x50  }
0x77: {  	[sflag:s13] =	ssyncset.done $0x0  }
0x78: {  	s31 =	sadd.s32 s24, s10;
	[sflag:s13] =	ssyncadd.s32 $0xFFFFFFB0  }
0x79: {  	[tilespmem:s15], [sflag:$0x3] =	stream.linear.gather [hbm4b:s31+s6], $0x50, $0x38;
	[tilespmem:$0x10C60] =	vst v63  }
0x7a: {  	_ =	swait.ge [sflag:s13], $0x50  }
0x7b: {  	[sflag:s13] =	ssyncset.done $0x0  }
0x7c: {  	[sflag:s13] =	ssyncadd.s32 $0xFFFFFFB0  }
0x7d: {  	[tilespmem:s16], [sflag:$0x1] =	stream.indirect.gather [hbm4b:s0+s15], $0x40, s6, s15, $0xb8;
	[tilespmem:$0x10C60] =	vst v63  }
0x7e: {  	_ = 	snop  }
0x7f: {  	[tilespmem:s17], [sflag:$0x2] =	stream.indirect.gather [hbm4b:s2+s15], $0x40, s15, s15, $0xb8;
	[tilespmem:$0x10C60] =	vst v63  }
0x80: {  	_ =	swait.ge [sflag:s18], $0x1400  }
0x81: {  	[sflag:s18] =	ssyncset.done $0x0  }
0x82: {  	[sflag:s18] =	ssyncadd.s32 $0xFFFFEC00  }
0x83: {  	_ =	swait.ge [sflag:s19], $0x1400  }
0x84: {  	[sflag:s19] =	ssyncset.done $0x0  }
0x85: {  	[sflag:s19] =	ssyncadd.s32 $0xFFFFEC00  }
0x86: {  	[spmem:s5] =	stream.indirect.scatter.add.f32 [tilespmem:s20], [sflag:$0x3], $0x50, s15, s15, $0xb8;
	[tilespmem:$0x10C60] =	vst v63  }
0x87: {  	_ =	swait.ge [sflag:s13], $0x1900  }
0x88: {  	s23 =	sadd.s32 $0x1, s23;
	[sflag:s13] =	ssyncset.done $0x0  }
0x89: {  	p0 =	sne.s32 s23, s8;
	[sflag:s13] =	ssyncadd.s32 $0xFFFFE700  }
.Ltmp2:
0x8a: {  	[bflag:$0x0] =	sbarrier.arrive $0xFFFF;
	(pc) =	sbr.rel @p0 .LBB2_1-.Ltmp2, $4  }
0x8b: {  	[hbm:s7], [sflag:s21] =	dma.local [spmem:s22], $0x1900  }
0x8c: {  	_ =	swait.ge [sflag:s13], $0x1900  }
0x8d: {  	[sflag:s13] =	ssyncset.done $0x0  }
0x8e: {  	[sflag:s13] =	ssyncadd.s32 $0xFFFFE700  }
0x8f: {  	_ =	sfence.sel $0x180000  }
0x90: {  	[bflag:$0x0] =	sbarrier.arrive $0xFFFF  }
0x91: {  	p0 =	sne.s32 s1, $0x0;
	_ =	strace $0x9000004A  }
0x92: {  	s0 =	sadd.s32 @!p0 $0x100000, s3;
	[bflag:$0x2] =	sbarrier.arrive $0xFFFF  }
0x93: {  	[sflag:s0] =	ssyncadd.tile.s32 @!p0 $0x1;
	_ =	shalt  }
.Lfunc_end2:
_tile_overlayer_lowered:
.L_overlay_start_2:
0x94: {  	(tag) =	ssettag $0x2  }
0x95: {  	s0 =	rddreg [dreg:$0x0];
	s2 =	stileid.u32  }
0x96: {  	s1 =	rddreg [dreg:$0x1];
	p0 =	sne.s32 s2, $0x0  }
0x97: {  	s3 =	rddreg [dreg:$0x2];
	[bflag:$0x3] =	sbarrier.arrive $0xFFFF;
	s2 =	simm.s32 @!p0 $0x1C03  }
0x98: {  	[timem:s3], [sflag:s2] =	dma.local @!p0 [hbm:s0], s1  }
0x99: {  	s0 =	simm.s32 @!p0 $0x3  }
0x9a: {  	_ =	swait.ge @!p0 [sflag:s0], s1  }
0x9b: {  	s1 =	ssub.s32 @!p0 $0x0, s1;
	[sflag:s0] =	ssyncset.done @!p0 $0x0  }
0x9c: {  	[sflag:s0] =	ssyncadd.s32 @!p0 s1  }
0x9d: {  	[bflag:$0x3] =	sbarrier.arrive $0xFFFF  }
0x9e: {  	_ =	shalt  }

// kernel: kernel.7.cloned.1.call-start
scs
__scs_entry_jumppad:
0x0: {  	(pc) =	sbr.rel $0x88, $3  }
0x1: {  	(tag) =	ssettag $0x0;
	lr =	simm.s32 $0x1  }
0x2: {  	[smem:$0x3F97] =	sst lr;
	_ =	strace $0xD0000000  }
0x3: {  	_ = 	snop  }
0x4: {  	_ = 	snop  }
0x5: {  	_ = 	snop  }
0x6: {  	_ = 	snop  }
0x7: {  	_ = 	snop  }
__scs_overlays_trampoline_lowered:
0x8: {  	[smem:$0x3FA6] =	sst s0  }
0x9: {  	[smem:$0x3FA7] =	sst s1  }
0xa: {  	[smem:$0x3FA8] =	sst s2  }
0xb: {  	[smem:$0x3FA9] =	sst s3  }
0xc: {  	[smem:$0x3FAA] =	sst s4  }
0xd: {  	[smem:$0x3FAB] =	sst s5  }
0xe: {  	[smem:$0x3FAC] =	sst s6  }
0xf: {  	[smem:$0x3FAD] =	sst s7  }
0x10: {  	[smem:$0x3FAE] =	sst s8  }
0x11: {  	[smem:$0x3FAF] =	sst s9;
	s0 =	simm.s32 @!p0 $0x0  }
0x12: {  	s1 =	sld [smem:$0x3F95];
	s0 =	simm.s32 @p0 $0x1  }
0x13: {  	[smem:$0x3FB0] =	sst s0;
	s0 =	simm.s32 @!p1 $0x0  }
0x14: {  	s2 =	sld [smem:$0x3F94];
	s0 =	simm.s32 @p1 $0x1  }
0x15: {  	[smem:$0x3FB1] =	sst s0;
	s0 =	simm.s32 @!p2 $0x0  }
0x16: {  	s3 =	sld [smem:$0x3FDB];
	s0 =	simm.s32 @p2 $0x1  }
0x17: {  	s4 =	simm.s32 $0x1BF5;
	[smem:$0x3FB3] =	sst s0  }
0x18: {  	s0 =	sld [smem:$0x3F96];
	_ =	swait.ge [sflag:s4], $0x0  }
0x19: {  	s7 =	sld [smem:$0x3F97]  }
0x1a: {  	s8 =	sadd.s32 $0xFFFFE003, lr  }
0x1b: {  	s9 =	sadd.s32 $0xFFFFFEF7, lr;
	s5 =	simm.s32 $0xFFFFFFFF;
	p2 =	slt.u32 s8, $0xFFFFF086  }
0x1c: {  	p1 =	slt.u32 s9, $0xF7A;
	s5 =	simm.s32 @!p2 $0x0  }
0x1d: {  	s5 =	simm.s32 @p1 $0x1;
	p0 =	seq.s32 s7, s2  }
0x1e: {  	s7 =	smul.u32 @!p0 $0xF7A, s2;
	p2 =	seq.s32 @!p0 s5, $0x0  }
0x1f: {  	s9 =	smul.u32 $0xF7A, s1;
	s8 =	simm.s32 @!p0 $0x1BF5;
	p2 =	por !p2, p0  }
0x20: {  	[sflag:s8] =	ssyncset.s32 @!p0 $0xFFFFF086;
	s6 =	sadd.s32 @!p0 s3, s7;
	s7 =	simm.s32 @!p0 $0x108  }
0x21: {  	s3 =	sadd.s32 s3, s9;
	s6 =	sadd.s32 @!p0 $0x88, s6;
	s7 =	simm.s32 @p2 $0x1082  }
0x22: {  	[simem:s7], [sflag:s8] =	dma.local @!p0 [hbm:s6], $0xF7A  }
0x23: {  	s9 =	sor.u32 $0xD0000000, s2;
	s6 =	simm.s32 $0x108;
	_ =	swait.ge @!p0 [sflag:s8], $0x0  }
0x24: {  	s3 =	sadd.s32 $0x88, s3;
	s6 =	simm.s32 @!p1 $0x1082;
	[sflag:s4] =	ssyncset.s32 $0xFFFFF086  }
0x25: {  	[simem:s6], [sflag:s4] =	dma.local [hbm:s3], $0xF7A  }
0x26: {  	[smem:$0x3F97] =	sst s1;
	(tag) =	ssettag s2;
	_ =	strace s9  }
0x27: {  	s1 =	sld [smem:$0x3FA7]  }
0x28: {  	s2 =	sld [smem:$0x3FA8]  }
0x29: {  	s4 =	sld [smem:$0x3FAA]  }
0x2a: {  	p0 =	seq.s32 s5, $0x0;
	s5 =	sld [smem:$0x3FAB]  }
0x2b: {  	s6 =	sld [smem:$0x3FAC]  }
0x2c: {  	s7 =	sld [smem:$0x3FAD]  }
0x2d: {  	s3 =	simm.s32 $0x108;
	s8 =	sld [smem:$0x3FAE]  }
0x2e: {  	s3 =	simm.s32 @!p0 $0x1082;
	s9 =	sld [smem:$0x3FAF]  }
0x2f: {  	lr =	sadd.s32 s0, s3;
	s0 =	sld [smem:$0x3FA6]  }
0x30: {  	s3 =	sld [smem:$0x3FA9]  }
0x31: {  	[smem:$0x3FB2] =	sst s10  }
0x32: {  	s10 =	sld [smem:$0x3FB0];
	_ =	sdelay $0x3  }
0x33: {  	p0 =	seq.s32 s10, $0x1;
	s10 =	sld [smem:$0x3FB2];
	_ =	sdelay $0x3  }
0x34: {  	[smem:$0x3FB2] =	sst s10  }
0x35: {  	s10 =	sld [smem:$0x3FB1];
	_ =	sdelay $0x3  }
0x36: {  	p1 =	seq.s32 s10, $0x1;
	s10 =	sld [smem:$0x3FB2];
	_ =	sdelay $0x3  }
0x37: {  	[smem:$0x3FB2] =	sst s10  }
0x38: {  	s10 =	sld [smem:$0x3FB3]  }
0x39: {  	_ = 	snop;
	(pc) =	sbr.ind lr, $3  }
0x3a: {  	_ = 	snop  }
0x3b: {  	_ = 	snop  }
0x3c: {  	p2 =	seq.s32 s10, $0x1;
	s10 =	sld [smem:$0x3FB2]  }
0x3d: {  	_ =	shalt  }
0x3e: {  	_ =	shalt  }
0x3f: {  	_ =	shalt  }
0x40: {  	_ =	shalt  }
0x41: {  	_ =	shalt  }
0x42: {  	_ =	shalt  }
0x43: {  	_ =	shalt  }
0x44: {  	_ =	shalt  }
0x45: {  	_ =	shalt  }
0x46: {  	_ =	shalt  }
0x47: {  	_ =	shalt  }
0x48: {  	_ =	shalt  }
0x49: {  	_ =	shalt  }
0x4a: {  	_ =	shalt  }
0x4b: {  	_ =	shalt  }
0x4c: {  	_ =	shalt  }
0x4d: {  	_ =	shalt  }
0x4e: {  	_ =	shalt  }
0x4f: {  	_ =	shalt  }
0x50: {  	_ =	shalt  }
0x51: {  	_ =	shalt  }
0x52: {  	_ =	shalt  }
0x53: {  	_ =	shalt  }
0x54: {  	_ =	shalt  }
0x55: {  	_ =	shalt  }
0x56: {  	_ =	shalt  }
0x57: {  	_ =	shalt  }
0x58: {  	_ =	shalt  }
0x59: {  	_ =	shalt  }
0x5a: {  	_ =	shalt  }
0x5b: {  	_ =	shalt  }
0x5c: {  	_ =	shalt  }
0x5d: {  	_ =	shalt  }
0x5e: {  	_ =	shalt  }
0x5f: {  	_ =	shalt  }
0x60: {  	_ =	shalt  }
0x61: {  	_ =	shalt  }
0x62: {  	_ =	shalt  }
0x63: {  	_ =	shalt  }
0x64: {  	_ =	shalt  }
0x65: {  	_ =	shalt  }
0x66: {  	_ =	shalt  }
0x67: {  	_ =	shalt  }
0x68: {  	_ =	shalt  }
0x69: {  	_ =	shalt  }
0x6a: {  	_ =	shalt  }
0x6b: {  	_ =	shalt  }
0x6c: {  	_ =	shalt  }
0x6d: {  	_ =	shalt  }
0x6e: {  	_ =	shalt  }
0x6f: {  	_ =	shalt  }
0x70: {  	_ =	shalt  }
0x71: {  	_ =	shalt  }
0x72: {  	_ =	shalt  }
0x73: {  	_ =	shalt  }
0x74: {  	_ =	shalt  }
0x75: {  	_ =	shalt  }
0x76: {  	_ =	shalt  }
0x77: {  	_ =	shalt  }
0x78: {  	_ =	shalt  }
0x79: {  	_ =	shalt  }
0x7a: {  	_ =	shalt  }
0x7b: {  	_ =	shalt  }
0x7c: {  	_ =	shalt  }
0x7d: {  	_ =	shalt  }
0x7e: {  	_ =	shalt  }
0x7f: {  	_ =	shalt  }
0x80: {  	_ =	shalt  }
0x81: {  	_ =	shalt  }
0x82: {  	_ =	shalt  }
0x83: {  	_ =	shalt  }
0x84: {  	_ =	shalt  }
0x85: {  	_ =	shalt  }
0x86: {  	_ =	shalt  }
0x87: {  	_ =	shalt  }
.Lfunc_end0:
.L_simem_size_0:
called_computation_lowered:
.L_overlay_start_0:
0x88: {  	s2 =	sld [smem:$0x3FD9]  }
0x89: {  	s3 =	sld [smem:$0x3FFE];
	_ =	sdelay $0x1  }
0x8a: {  	s1 =	srdreg.scid  }
0x8b: {  	s0 =	sand.u32 $0x1, s1  }
0x8c: {  	s14 =	sshll.u32 s0, $0xA;
	s2 =	sadd.s32 s3, s2  }
0x8d: {  	s2 =	sadd.s32 s2, s14  }
0x8e: {  	[smem:$0x3FBE] =	sst s2  }
0x8f: {  	_ = 	snop  }
0x90: {  	s2 =	sld [smem:$0x3FD0];
	_ =	sdelay $0x2  }
0x91: {  	s15 =	simm.s32 $0xA;
	s4 =	simm.s32 $0x10  }
0x92: {  	[smem:s4], [sflag:s15] =	dma.local [hbm:s2], $0x1  }
0x93: {  	_ =	swait.eq [sflag:s15], $0x1  }
0x94: {  	[sflag:s15] =	ssyncset.done $0x0  }
0x95: {  	[sflag:s15] =	ssyncadd.s32 $0xFFFFFFFF  }
0x96: {  	s16 =	sld [smem:$0x11];
	(tm) =	ssettm $0x1  }
0x97: {  	s17 =	sld [smem:$0x3FFB];
	_ =	sdelay $0x3  }
0x98: {  	_ =	strace s17  }
0x99: {  	s3 =	sld [smem:$0x3FFC];
	_ =	sdelay $0x3  }
0x9a: {  	_ =	strace s3  }
0x9b: {  	s3 =	sld [smem:$0x3FFD];
	_ =	sdelay $0x3  }
0x9c: {  	_ =	strace s3  }
0x9d: {  	_ =	strace $0x8FFFFFFF  }
0x9e: {  	s18 =	sld [smem:$0x3FDB];
	_ =	sdelay $0x1  }
0x9f: {  	s19 =	simm.s32 $_scs_section_size  }
0xa0: {  	s5 =	simm.s32 $_size__tile_overlayer_lowered;
	s6 =	simm.s32 $_tile_overlayer_lowered  }
0xa1: {  	s22 =	simm.s32 $0x1BFF;
	s21 =	sshll.u32 s6, $0x1;
	s3 =	sadd.s32 s19, s18  }
0xa2: {  	s7 =	simm.s32 $0x0;
	s20 =	sshll.u32 s5, $0x1;
	s5 =	sadd.s32 s21, s3  }
0xa3: {  	[timem:s7], [sflag:s22] =	dma.local [hbm:s5], s20  }
0xa4: {  	_ =	swait.ge [sflag:s22], s20  }
0xa5: {  	s4 =	ssub.s32 $0x0, s20;
	[sflag:s22] =	ssyncset.done $0x0  }
0xa6: {  	[sflag:s22] =	ssyncadd.s32 s4;
	_ =	sdelay $0x1  }
0xa7: {  	s23 =	simm.s32 $0x1B8B  }
0xa8: {  	_ =	swait.ge [sflag:s23], $0x1  }
0xa9: {  	[sflag:s23] =	ssyncset.done $0x0  }
0xaa: {  	s25 =	simm.s32 $0x1B8E;
	s24 =	sld [smem:$0x3FFE];
	[sflag:s23] =	ssyncadd.s32 $0xFFFFFFFF  }
0xab: {  	s26 =	simm.s32 $execute0_lowered;
	[smem:$0x3FD2] =	sst s25  }
0xac: {  	s5 =	sshll.u32 s26, $0x1;
	_ =	strace $0x80000046;
	[dreg:$0x1] =	wrdreg $0xFFFFFFFF  }
0xad: {  	s28 =	simm.s32 $_size_execute0_lowered;
	s3 =	sadd.s32 s3, s5;
	[dreg:$0x0] =	wrdreg $0x0  }
0xae: {  	s5 =	sshll.u32 s28, $0x1;
	[dreg:$0x2] =	wrdreg s3  }
0xaf: {  	[dreg:$0x3] =	wrdreg s5  }
0xb0: {  	[dreg:$0x4] =	wrdreg $0xC0  }
0xb1: {  	_ =	task [dreg:s7], $0x5FFFF  }
0xb2: {  	[dreg:$0x1] =	wrdreg $0xFFFFFFFF  }
0xb3: {  	[dreg:$0x0] =	wrdreg $0x60  }
0xb4: {  	[dreg:$0x2] =	wrdreg s24  }
0xb5: {  	[dreg:$0x3] =	wrdreg s16  }
0xb6: {  	[dreg:$0x4] =	wrdreg $0x82A00  }
0xb7: {  	[dreg:$0x5] =	wrdreg $0x9  }
0xb8: {  	_ =	task.clear_ibuf [dreg:s7], $0x6FFFF;
	_ =	strace $0x90000046  }
0xb9: {  	s29 =	simm.s32 $0x9;
	_ =	strace $0x80000048  }
0xba: {  	_ =	swait.ge [sflag:s29], $0x1  }
0xbb: {  	[sflag:s29] =	ssyncadd.s32 $0xFFFFFFFF  }
0xbc: {  	_ =	strace $0x90000048  }
0xbd: {  	_ =	sfence  }
0xbe: {  	s30 =	sld [smem:$0x0];
	_ =	sdelay $0x2  }
0xbf: {  	s31 =	sshll.u32 s1, $0xD;
	s1 =	sshrl.u32 s1, $0x2  }
0xc0: {  	s3 =	sand.u32 $0x4000, s31;
	s1 =	sadd.s32 s1, s30  }
0xc1: {  	s0 =	sor.u32 s3, s0;
	s1 =	sshll.u32 s1, $0x11  }
0xc2: {  	s0 =	sor.u32 s1, s0  }
0xc3: {  	s0 =	sadd.s32 $0x8F2B, s0  }
0xc4: {  	[sflag:s0] =	ssyncadd.remote.s32 $0x1  }
0xc5: {  	_ =	sfence.sel $0xFFFF  }
0xc6: {  	[dreg:$0x0] =	wrdreg $0xFFFFFFFF;
	(pc) =	sbr.abs _section_cstart, $3  }
0xc7: {  	[dreg:$0x1] =	wrdreg $0xFFFFFFFF  }
0xc8: {  	_ =	task.clear_ibuf [dreg:s7], $0x2FFFF;
	_ =	strace $0x9FFFFFFF  }
0xc9: {  	(tm) =	ssettm $0x7FFFFFFF  }
tec
execute0_lowered:
.L_overlay_start_1:
0x0: {  	(tag) =	ssettag $0x1  }
0x1: {  	s7 =	rddreg [dreg:$0x0]  }
0x2: {  	s2 =	rddreg [dreg:$0x1]  }
0x3: {  	s0 =	srdreg.scid;
	s3 =	rddreg [dreg:$0x2]  }
0x4: {  	s1 =	rddreg [dreg:$0x3];
	s4 =	simm.s32 $0x0;
	s14 =	simm.s32 $0x7DA0  }
0x5: {  	s15 =	simm.s32 $0x50;
	s16 =	simm.s32 $0xA0;
	s8 =	sand.u32 $0x1, s0  }
0x6: {  	s17 =	simm.s32 $0x28A0;
	s0 =	stileid.u32;
	s6 =	smul.u32 $0x27100, s8  }
0x7: {  	s18 =	simm.s32 $0x1;
	s19 =	simm.s32 $0x2;
	s9 =	smul.u32 $0x2710, s0  }
0x8: {  	s20 =	simm.s32 $0x50A0;
	s23 =	simm.s32 $0x0;
	s10 =	smul.u32 $0x168000, s8  }
0x9: {  	[smem:$0x7FF] =	sst s4;
	s5 =	sadd.s32 $0x15A00, s7;
	s11 =	smul.u32 $0x16800, s0  }
0xa: {  	_ =	strace $0x80000047;
	s8 =	ssub.s32 $0x2, s8;
	s21 =	sshll.u32 s0, $0x6  }
0xb: {  	s12 =	smul.u32 $0x5A000, s0;
	s30 =	sshrl.u32 s8, $0x1;
	s21 =	sor.u32 $0x1C03, s21  }
0xc: {  	s9 =	sadd.s32 s9, s6;
	s6 =	sadd.s32 $0x3CC00, s7;
	s10 =	sadd.s32 s11, s10  }
0xd: {  	s8 =	ssub.s32 s8, s30;
	s31 =	sshrl.u32 s12, $0x2;
	s22 =	sadd.s32 s11, s3  }
0xe: {  	s12 =	simm.s32 $0x7E20;
	s9 =	sshrl.u32 s9, $0x3;
	s10 =	sshrl.u32 s10, $0x3  }
0xf: {  	s8 =	smax.u32 s8, $0x1;
	s13 =	sadd.s32 s9, s7;
	s7 =	sadd.s32 s10, s7  }
0x10: {  	s22 =	sshrl.u32 s22, $0x3;
	s9 =	sadd.s32 s31, s3;
	s7 =	sadd.s32 $0x63E00, s7  }
0x11: {  	v0 =	vimm.f32 $0.0e+00;
	s10 =	sadd.s32 $0x1E00, s13;
	s11 =	sadd.s32 $0xBC00, s13;
	s13 =	simm.s32 $0x3  }
.LBB2_1:
0x12: {  	[tilespmem:$0x7E20] =	vst v0  }
0x13: {  	[tilespmem:$0x7E30] =	vst v0  }
0x14: {  	[tilespmem:$0x7E40] =	vst v0  }
0x15: {  	[tilespmem:$0x7E50] =	vst v0  }
0x16: {  	[tilespmem:$0x7E60] =	vst v0  }
0x17: {  	[tilespmem:$0x7E70] =	vst v0  }
0x18: {  	[tilespmem:$0x7E80] =	vst v0  }
0x19: {  	[tilespmem:$0x7E90] =	vst v0  }
0x1a: {  	[tilespmem:$0x7EA0] =	vst v0  }
0x1b: {  	[tilespmem:$0x7EB0] =	vst v0  }
0x1c: {  	[tilespmem:$0x7EC0] =	vst v0  }
0x1d: {  	[tilespmem:$0x7ED0] =	vst v0  }
0x1e: {  	[tilespmem:$0x7EE0] =	vst v0  }
0x1f: {  	[tilespmem:$0x7EF0] =	vst v0  }
0x20: {  	[tilespmem:$0x7F00] =	vst v0  }
0x21: {  	[tilespmem:$0x7F10] =	vst v0  }
0x22: {  	[tilespmem:$0x7F20] =	vst v0  }
0x23: {  	[tilespmem:$0x7F30] =	vst v0  }
0x24: {  	[tilespmem:$0x7F40] =	vst v0  }
0x25: {  	[tilespmem:$0x7F50] =	vst v0  }
0x26: {  	[tilespmem:$0x7F60] =	vst v0  }
0x27: {  	[tilespmem:$0x7F70] =	vst v0  }
0x28: {  	[tilespmem:$0x7F80] =	vst v0  }
0x29: {  	[tilespmem:$0x7F90] =	vst v0  }
0x2a: {  	[tilespmem:$0x7FA0] =	vst v0  }
0x2b: {  	[tilespmem:$0x7FB0] =	vst v0  }
0x2c: {  	[tilespmem:$0x7FC0] =	vst v0  }
0x2d: {  	[tilespmem:$0x7FD0] =	vst v0  }
0x2e: {  	[tilespmem:$0x7FE0] =	vst v0  }
0x2f: {  	[tilespmem:$0x7FF0] =	vst v0  }
0x30: {  	[tilespmem:$0x8000] =	vst v0  }
0x31: {  	[tilespmem:$0x8010] =	vst v0  }
0x32: {  	[tilespmem:$0x8020] =	vst v0  }
0x33: {  	[tilespmem:$0x8030] =	vst v0  }
0x34: {  	[tilespmem:$0x8040] =	vst v0  }
0x35: {  	[tilespmem:$0x8050] =	vst v0  }
0x36: {  	[tilespmem:$0x8060] =	vst v0  }
0x37: {  	[tilespmem:$0x8070] =	vst v0  }
0x38: {  	[tilespmem:$0x8080] =	vst v0  }
0x39: {  	[tilespmem:$0x8090] =	vst v0  }
0x3a: {  	[tilespmem:$0x80A0] =	vst v0  }
0x3b: {  	[tilespmem:$0x80B0] =	vst v0  }
0x3c: {  	[tilespmem:$0x80C0] =	vst v0  }
0x3d: {  	[tilespmem:$0x80D0] =	vst v0  }
0x3e: {  	[tilespmem:$0x80E0] =	vst v0  }
0x3f: {  	[tilespmem:$0x80F0] =	vst v0  }
0x40: {  	[tilespmem:$0x8100] =	vst v0  }
0x41: {  	[tilespmem:$0x8110] =	vst v0  }
0x42: {  	[tilespmem:$0x8120] =	vst v0  }
0x43: {  	[tilespmem:$0x8130] =	vst v0  }
0x44: {  	[tilespmem:$0x8140] =	vst v0  }
0x45: {  	[tilespmem:$0x8150] =	vst v0  }
0x46: {  	[tilespmem:$0x8160] =	vst v0  }
0x47: {  	[tilespmem:$0x8170] =	vst v0  }
0x48: {  	[tilespmem:$0x8180] =	vst v0  }
0x49: {  	[tilespmem:$0x8190] =	vst v0  }
0x4a: {  	[tilespmem:$0x81A0] =	vst v0  }
0x4b: {  	[tilespmem:$0x81B0] =	vst v0  }
0x4c: {  	[tilespmem:$0x81C0] =	vst v0  }
0x4d: {  	[tilespmem:$0x81D0] =	vst v0  }
0x4e: {  	[tilespmem:$0x81E0] =	vst v0  }
0x4f: {  	[tilespmem:$0x81F0] =	vst v0  }
0x50: {  	[tilespmem:$0x8200] =	vst v0  }
0x51: {  	[tilespmem:$0x8210] =	vst v0  }
0x52: {  	[tilespmem:$0x8220] =	vst v0  }
0x53: {  	[tilespmem:$0x8230] =	vst v0  }
0x54: {  	[tilespmem:$0x8240] =	vst v0  }
0x55: {  	[tilespmem:$0x8250] =	vst v0  }
0x56: {  	[tilespmem:$0x8260] =	vst v0  }
0x57: {  	[tilespmem:$0x8270] =	vst v0  }
0x58: {  	[tilespmem:$0x8280] =	vst v0  }
0x59: {  	[tilespmem:$0x8290] =	vst v0;
	s24 =	sadd.s32 $0x0, s9  }
0x5a: {  	[spmem:s24] =	stream.linear.scatter [tilespmem:s12], [sflag:$0x3], $0x480, $0x38;
	[tilespmem:$0x1EAA0] =	vst v63  }
0x5b: {  	s24 =	simm.s32 $0x1200;
	_ =	swait.ge [sflag:s13], $0x480  }
.LBB2_2:
0x5c: {  	s25 =	sshra.s32 s24, $0x2;
	[sflag:s13] =	ssyncset.done $0x0;
	p0 =	sne.s32 s24, $0x58E00  }
.Ltmp0:
0x5d: {  	s25 =	sadd.s32 s25, s9;
	[sflag:s13] =	ssyncadd.s32 $0xFFFFFB80;
	(pc) =	sbr.rel @p0 .LBB2_2-.Ltmp0, $3  }
0x5e: {  	[spmem:s25] =	stream.linear.scatter [tilespmem:s12], [sflag:$0x3], $0x480, $0x38;
	[tilespmem:$0x1EAA0] =	vst v63  }
0x5f: {  	s24 =	sadd.s32 $0x1200, s24;
	_ =	sdelay $0x1  }
0x60: {  	_ =	swait.ge [sflag:s13], $0x480  }
0x61: {  	[sflag:s13] =	ssyncset.done $0x0  }
0x62: {  	[sflag:s13] =	ssyncadd.s32 $0xFFFFFB80  }
0x63: {  	s24 =	simm.s32 $0x0;
	[bflag:$0x0] =	sbarrier.arrive $0xFFFF  }
0x64: {  	[tilespmem:s14], [sflag:$0x3] =	stream.linear.gather [hbm4b:s2+s24], $0x80, $0x38;
	[tilespmem:$0x1EAA0] =	vst v63  }
0x65: {  	_ =	swait.ge [sflag:s13], $0x80  }
0x66: {  	[sflag:s13] =	ssyncset.done $0x0  }
0x67: {  	s30 =	sadd.s32 $0x0, s11;
	[sflag:s13] =	ssyncadd.s32 $0xFFFFFF80  }
0x68: {  	[tilespmem:s4], [sflag:$0x3] =	stream.linear.gather [hbm4b:s30+s4], $0x50, $0x38;
	[tilespmem:$0x1EAA0] =	vst v63  }
0x69: {  	_ =	swait.ge [sflag:s13], $0x50  }
0x6a: {  	[sflag:s13] =	ssyncset.done $0x0  }
0x6b: {  	s31 =	sadd.s32 $0x0, s10;
	[sflag:s13] =	ssyncadd.s32 $0xFFFFFFB0  }
0x6c: {  	[tilespmem:s15], [sflag:$0x3] =	stream.linear.gather [hbm4b:s31+s4], $0x50, $0x38;
	[tilespmem:$0x1EAA0] =	vst v63  }
0x6d: {  	_ =	swait.ge [sflag:s13], $0x50  }
0x6e: {  	[sflag:s13] =	ssyncset.done $0x0  }
0x6f: {  	[sflag:s13] =	ssyncadd.s32 $0xFFFFFFB0  }
0x70: {  	[tilespmem:s16], [sflag:$0x1] =	stream.indirect.gather [hbm4b:s5+s15], $0x80, s4, s15, $0xb8;
	[tilespmem:$0x1EAA0] =	vst v63  }
0x71: {  	_ = 	snop  }
0x72: {  	[tilespmem:s17], [sflag:$0x2] =	stream.indirect.gather [hbm4b:s6+s15], $0x80, s15, s15, $0xb8;
	[tilespmem:$0x1EAA0] =	vst v63  }
0x73: {  	_ =	swait.ge [sflag:s18], $0x2800  }
0x74: {  	[sflag:s18] =	ssyncset.done $0x0  }
0x75: {  	[sflag:s18] =	ssyncadd.s32 $0xFFFFD800  }
0x76: {  	_ =	swait.ge [sflag:s19], $0x2800  }
0x77: {  	[sflag:s19] =	ssyncset.done $0x0  }
0x78: {  	[sflag:s19] =	ssyncadd.s32 $0xFFFFD800  }
0x79: {  	[spmem:s3] =	stream.indirect.scatter.add.f32 [tilespmem:s20], [sflag:$0x3], $0x90, s15, s15, $0xb8;
	[tilespmem:$0x1EAA0] =	vst v63  }
0x7a: {  	_ =	swait.ge [sflag:s13], $0x2D00  }
0x7b: {  	s25 =	simm.s32 $0x14;
	s24 =	simm.s32 $0xA;
	[sflag:s13] =	ssyncset.done $0x0  }
.LBB2_4:
0x7c: {  	s26 =	sadd.s32 s24, s11  }
0x7d: {  	[sflag:s13] =	ssyncadd.s32 $0xFFFFD300;
	s28 =	smov.u32 s25;
	s29 =	sadd.s32 $0xA, s25  }
0x7e: {  	[tilespmem:s4], [sflag:$0x3] =	stream.linear.gather [hbm4b:s26+s4], $0x50, $0x38;
	[tilespmem:$0x1EAA0] =	vst v63  }
0x7f: {  	p0 =	sne.s32 s25, $0x4D8;
	_ =	swait.ge [sflag:s13], $0x50  }
0x80: {  	[sflag:s13] =	ssyncset.done $0x0  }
0x81: {  	s25 =	sadd.s32 s24, s10;
	s24 =	smov.u32 s28;
	[sflag:s13] =	ssyncadd.s32 $0xFFFFFFB0  }
0x82: {  	[tilespmem:s15], [sflag:$0x3] =	stream.linear.gather [hbm4b:s25+s4], $0x50, $0x38;
	[tilespmem:$0x1EAA0] =	vst v63  }
0x83: {  	_ =	swait.ge [sflag:s13], $0x50  }
0x84: {  	[sflag:s13] =	ssyncset.done $0x0  }
0x85: {  	[sflag:s13] =	ssyncadd.s32 $0xFFFFFFB0  }
0x86: {  	[tilespmem:s16], [sflag:$0x1] =	stream.indirect.gather [hbm4b:s5+s15], $0x80, s4, s15, $0xb8;
	[tilespmem:$0x1EAA0] =	vst v63  }
0x87: {  	_ = 	snop  }
0x88: {  	[tilespmem:s17], [sflag:$0x2] =	stream.indirect.gather [hbm4b:s6+s15], $0x80, s15, s15, $0xb8;
	[tilespmem:$0x1EAA0] =	vst v63  }
0x89: {  	_ =	swait.ge [sflag:s18], $0x2800  }
0x8a: {  	[sflag:s18] =	ssyncset.done $0x0  }
0x8b: {  	[sflag:s18] =	ssyncadd.s32 $0xFFFFD800  }
0x8c: {  	_ =	swait.ge [sflag:s19], $0x2800  }
.Ltmp1:
0x8d: {  	[sflag:s19] =	ssyncset.done $0x0;
	(pc) =	sbr.rel @p0 .LBB2_4-.Ltmp1, $4  }
0x8e: {  	[sflag:s19] =	ssyncadd.s32 $0xFFFFD800  }
0x8f: {  	[spmem:s3] =	stream.indirect.scatter.add.f32 [tilespmem:s20], [sflag:$0x3], $0x90, s15, s15, $0xb8;
	[tilespmem:$0x1EAA0] =	vst v63  }
0x90: {  	_ =	swait.ge [sflag:s13], $0x2D00  }
0x91: {  	s25 =	smov.u32 s29;
	[sflag:s13] =	ssyncset.done $0x0  }
0x92: {  	s25 =	sadd.s32 s24, s11;
	[sflag:s13] =	ssyncadd.s32 $0xFFFFD300  }
0x93: {  	[tilespmem:s4], [sflag:$0x3] =	stream.linear.gather [hbm4b:s25+s4], $0x50, $0x38;
	[tilespmem:$0x1EAA0] =	vst v63  }
0x94: {  	_ =	swait.ge [sflag:s13], $0x50  }
0x95: {  	[sflag:s13] =	ssyncset.done $0x0  }
0x96: {  	s31 =	sadd.s32 s24, s10;
	[sflag:s13] =	ssyncadd.s32 $0xFFFFFFB0  }
0x97: {  	[tilespmem:s15], [sflag:$0x3] =	stream.linear.gather [hbm4b:s31+s4], $0x50, $0x38;
	[tilespmem:$0x1EAA0] =	vst v63  }
0x98: {  	_ =	swait.ge [sflag:s13], $0x50  }
0x99: {  	[sflag:s13] =	ssyncset.done $0x0  }
0x9a: {  	[sflag:s13] =	ssyncadd.s32 $0xFFFFFFB0  }
0x9b: {  	[tilespmem:s16], [sflag:$0x1] =	stream.indirect.gather [hbm4b:s5+s15], $0x80, s4, s15, $0xb8;
	[tilespmem:$0x1EAA0] =	vst v63  }
0x9c: {  	_ = 	snop  }
0x9d: {  	[tilespmem:s17], [sflag:$0x2] =	stream.indirect.gather [hbm4b:s6+s15], $0x80, s15, s15, $0xb8;
	[tilespmem:$0x1EAA0] =	vst v63  }
0x9e: {  	_ =	swait.ge [sflag:s18], $0x2800  }
0x9f: {  	[sflag:s18] =	ssyncset.done $0x0  }
0xa0: {  	[sflag:s18] =	ssyncadd.s32 $0xFFFFD800  }
0xa1: {  	_ =	swait.ge [sflag:s19], $0x2800  }
0xa2: {  	[sflag:s19] =	ssyncset.done $0x0  }
0xa3: {  	[sflag:s19] =	ssyncadd.s32 $0xFFFFD800  }
0xa4: {  	[spmem:s3] =	stream.indirect.scatter.add.f32 [tilespmem:s20], [sflag:$0x3], $0x90, s15, s15, $0xb8;
	[tilespmem:$0x1EAA0] =	vst v63  }
0xa5: {  	_ =	swait.ge [sflag:s13], $0x2D00  }
0xa6: {  	s23 =	sadd.s32 $0x1, s23;
	[sflag:s13] =	ssyncset.done $0x0  }
0xa7: {  	p0 =	sne.s32 s23, s8;
	[sflag:s13] =	ssyncadd.s32 $0xFFFFD300  }
.Ltmp2:
0xa8: {  	[bflag:$0x0] =	sbarrier.arrive $0xFFFF;
	(pc) =	sbr.rel @p0 .LBB2_1-.Ltmp2, $4  }
0xa9: {  	[hbm:s7], [sflag:s21] =	dma.local [spmem:s22], $0x2D00  }
0xaa: {  	_ =	swait.ge [sflag:s13], $0x2D00  }
0xab: {  	[sflag:s13] =	ssyncset.done $0x0  }
0xac: {  	[sflag:s13] =	ssyncadd.s32 $0xFFFFD300  }
0xad: {  	_ =	sfence.sel $0x180000  }
0xae: {  	[bflag:$0x0] =	sbarrier.arrive $0xFFFF  }
0xaf: {  	p0 =	sne.s32 s0, $0x0;
	_ =	strace $0x90000047  }
0xb0: {  	s0 =	sadd.s32 @!p0 $0x100000, s1;
	[bflag:$0x2] =	sbarrier.arrive $0xFFFF  }
0xb1: {  	[sflag:s0] =	ssyncadd.tile.s32 @!p0 $0x1;
	_ =	shalt  }
.Lfunc_end2:
_tile_overlayer_lowered:
.L_overlay_start_2:
0xb2: {  	(tag) =	ssettag $0x2  }
0xb3: {  	s0 =	rddreg [dreg:$0x0];
	s2 =	stileid.u32  }
0xb4: {  	s1 =	rddreg [dreg:$0x1];
	p0 =	sne.s32 s2, $0x0  }
0xb5: {  	s3 =	rddreg [dreg:$0x2];
	[bflag:$0x3] =	sbarrier.arrive $0xFFFF;
	s2 =	simm.s32 @!p0 $0x1C03  }
0xb6: {  	[timem:s3], [sflag:s2] =	dma.local @!p0 [hbm:s0], s1  }
0xb7: {  	s0 =	simm.s32 @!p0 $0x3  }
0xb8: {  	_ =	swait.ge @!p0 [sflag:s0], s1  }
0xb9: {  	s1 =	ssub.s32 @!p0 $0x0, s1;
	[sflag:s0] =	ssyncset.done @!p0 $0x0  }
0xba: {  	[sflag:s0] =	ssyncadd.s32 @!p0 s1  }
0xbb: {  	[bflag:$0x3] =	sbarrier.arrive $0xFFFF  }
0xbc: {  	_ =	shalt  }

</sc_bundles>
